<compile_context>
chip_gen: v7x
topology: tpu7x:2x2x1
jax: 0.10.2.dev20260603
libtpu: 0.0.44.dev20260713+nightly
codegen_flags: <defaults>
</compile_context>

<pallas_src>
import functools

import jax
import jax.numpy as jnp
from jax import lax
from jax.experimental import pallas as pl
from jax.experimental.pallas import tpu as pltpu
from jax.experimental.pallas import tpu_sc as plsc

E = 8
TOPK = 2
D = 1024
DFF = 4096
T = 2048
TM = 256
TMG = 256
NT = T // TM
NI = T * TOPK
TOTAL_TILES = 24
TOTAL_ROWS = TOTAL_TILES * TMG
BF = 512
NJ = DFF // BF
NGU = (2 * DFF) // BF

_f32 = jnp.float32
_i32 = jnp.int32



def _prologue_body(hid_ref, res_ref, lnw_ref, lnb_ref, rw_ref,
                   h_ref, normed_ref, w_ref, ids_ref):
    h = hid_ref[...] + res_ref[...]
    h_ref[...] = h
    mu = jnp.mean(h, axis=-1, keepdims=True)
    var = jnp.mean((h - mu) ** 2, axis=-1, keepdims=True)
    normed = (h - mu) * lax.rsqrt(var + 1e-5) * lnw_ref[...][None, :] + lnb_ref[...][None, :]
    normed_ref[...] = normed
    logits = jax.lax.dot_general(normed, rw_ref[...],
                                 (((1,), (1,)), ((), ())),
                                 preferred_element_type=_f32)
    m = jnp.max(logits, axis=-1, keepdims=True)
    ex = jnp.exp(logits - m)
    p = ex / jnp.sum(ex, axis=-1, keepdims=True)
    i0 = jnp.argmax(p, axis=-1)
    v0 = jnp.max(p, axis=-1)
    cols = lax.broadcasted_iota(_i32, (TM, E), 1)
    pm = jnp.where(cols == i0[:, None], -jnp.inf, p)
    i1 = jnp.argmax(pm, axis=-1)
    v1 = jnp.max(pm, axis=-1)
    s = v0 + v1
    w_ref[...] = jnp.concatenate([(v0 / s)[:, None], (v1 / s)[:, None]], axis=-1)
    ids_ref[...] = jnp.concatenate([i0[:, None], i1[:, None]], axis=-1).astype(_i32)


_prologue = pl.pallas_call(
    _prologue_body,
    grid=(NT,),
    in_specs=[
        pl.BlockSpec((TM, D), lambda i: (i, 0)),
        pl.BlockSpec((TM, D), lambda i: (i, 0)),
        pl.BlockSpec((D,), lambda i: (0,)),
        pl.BlockSpec((D,), lambda i: (0,)),
        pl.BlockSpec((E, D), lambda i: (0, 0)),
    ],
    out_specs=[
        pl.BlockSpec((TM, D), lambda i: (i, 0)),
        pl.BlockSpec((TM, D), lambda i: (i, 0)),
        pl.BlockSpec((TM, TOPK), lambda i: (i, 0)),
        pl.BlockSpec((TM, TOPK), lambda i: (i, 0)),
    ],
    out_shape=[
        jax.ShapeDtypeStruct((T, D), _f32),
        jax.ShapeDtypeStruct((T, D), _f32),
        jax.ShapeDtypeStruct((T, TOPK), _f32),
        jax.ShapeDtypeStruct((T, TOPK), _i32),
    ],
)



def _route_body(ids_ref, pos_ref, tile_e_ref):
    ids = ids_ref[...]
    el = lax.broadcasted_iota(_i32, (T, E), 1)
    oh0 = (ids[:, 0:1] == el)
    oh1 = (ids[:, 1:2] == el)
    oh = oh0.astype(_f32) + oh1.astype(_f32)
    C = 512
    sltri = (lax.broadcasted_iota(_i32, (C, C), 1)
             < lax.broadcasted_iota(_i32, (C, C), 0)).astype(_f32)
    carry = jnp.zeros((1, E), _f32)
    chunks = []
    for c in range(T // C):
        blk = oh[c * C:(c + 1) * C, :]
        ex = lax.dot_general(sltri, blk, (((1,), (0,)), ((), ())),
                             preferred_element_type=_f32) + carry
        carry = carry + jnp.sum(blk, axis=0, keepdims=True)
        chunks.append(ex)
    excl = jnp.concatenate(chunks, axis=0)
    counts = carry
    tiles_f = jnp.floor((counts + (TMG - 1)) / TMG)
    ut = (lax.broadcasted_iota(_i32, (E, E), 0)
          <= lax.broadcasted_iota(_i32, (E, E), 1)).astype(_f32)
    t8 = lax.dot_general(tiles_f, ut, (((1,), (0,)), ((), ())),
                         preferred_element_type=_f32)
    pad_off = (t8 - tiles_f) * TMG
    rank0 = jnp.sum(jnp.where(oh0, excl, 0.0), axis=-1, keepdims=True)
    rank1 = jnp.sum(jnp.where(oh1, excl + oh0.astype(_f32), 0.0),
                    axis=-1, keepdims=True)
    po0 = jnp.sum(jnp.where(oh0, pad_off, 0.0), axis=-1, keepdims=True)
    po1 = jnp.sum(jnp.where(oh1, pad_off, 0.0), axis=-1, keepdims=True)
    pos = jnp.concatenate([rank0 + po0, rank1 + po1], axis=-1)
    pos_ref[...] = pos.astype(_i32)
    eye = (lax.broadcasted_iota(_i32, (E, E), 0)
           == lax.broadcasted_iota(_i32, (E, E), 1)).astype(_f32)
    t8_col = lax.dot_general(eye, t8, (((1,), (1,)), ((), ())),
                             preferred_element_type=_f32)
    tiles_col = lax.dot_general(eye, tiles_f, (((1,), (1,)), ((), ())),
                                preferred_element_type=_f32)
    present = (tiles_col > 0.0).astype(_f32)
    jj = lax.broadcasted_iota(_i32, (E, 128), 1).astype(_f32)
    te = jnp.sum((jj >= t8_col).astype(_i32), axis=0)
    te = jnp.minimum(te, E - 1)
    dcnt = jnp.sum(((jj - 32.0) >= t8_col).astype(_f32) * present,
                   axis=0).astype(_i32)
    sltE = (lax.broadcasted_iota(_i32, (E, E), 1)
            < lax.broadcasted_iota(_i32, (E, E), 0)).astype(_f32)
    rank_col = lax.dot_general(sltE, present, (((1,), (0,)), ((), ())),
                               preferred_element_type=_f32)
    e_col = lax.broadcasted_iota(_i32, (E, 1), 0).astype(_f32)
    pe = jnp.sum(((jj - 96.0) == rank_col).astype(_f32) * present * e_col,
                 axis=0).astype(_i32)
    num_tiles = jnp.sum(tiles_f).astype(_i32)
    kpresent = jnp.sum(present).astype(_i32)
    lane = lax.broadcasted_iota(_i32, (128,), 0)
    val = te
    val = jnp.where(jnp.logical_and(lane >= 32, lane < 64), dcnt, val)
    val = jnp.where(lane == 64, num_tiles, val)
    val = jnp.where(lane == 65, kpresent, val)
    val = jnp.where(lane >= 96, pe, val)
    tile_e_ref[...] = val


_route = pl.pallas_call(
    _route_body,
    grid=(1,),
    in_specs=[pl.BlockSpec((T, TOPK), lambda i: (0, 0))],
    out_specs=[
        pl.BlockSpec((T, TOPK), lambda i: (0, 0)),
        pl.BlockSpec((128,), lambda i: (0,)),
    ],
    out_shape=[
        jax.ShapeDtypeStruct((T, TOPK), _i32),
        jax.ShapeDtypeStruct((128,), _i32),
    ],
)



_CHUNK = 64
_NW = 32
_ROWS_PER_W = NI // _NW
_NCH = _ROWS_PER_W // _CHUNK

@functools.cache
def _build_scatter_x():
    mesh = plsc.VectorSubcoreMesh(core_axis_name="c", subcore_axis_name="s")

    @functools.partial(
        pl.kernel,
        out_type=jax.ShapeDtypeStruct((TOTAL_ROWS, D), _f32),
        mesh=mesh,
        scratch_types=[
            pltpu.VMEM((_CHUNK,), _i32),
            pltpu.VMEM((_CHUNK,), _i32),
            pltpu.VMEM((_CHUNK, D), _f32),
            pltpu.SemaphoreType.DMA,
        ],
    )
    def _scatter_x(normed_hbm, tok_hbm, pos_hbm, out_hbm, idx_v, pos_v, rows_v, sem):
        wid = lax.axis_index("s") * 2 + lax.axis_index("c")
        for c in range(_NCH):
            base = wid * _ROWS_PER_W + c * _CHUNK
            pltpu.sync_copy(tok_hbm.at[pl.ds(base, _CHUNK)], idx_v)
            pltpu.sync_copy(pos_hbm.at[pl.ds(base, _CHUNK)], pos_v)
            pltpu.async_copy(normed_hbm.at[idx_v], rows_v, sem).wait()
            pltpu.async_copy(rows_v, out_hbm.at[pos_v], sem).wait()

    return _scatter_x



def _gmm_body(te_ref, x_ref, gu_hbm, d_hbm, o_ref,
              acc_ref, gbuf, ubuf, dbuf, sems):
    j = pl.program_id(0)
    m = pl.program_id(1)
    nt = te_ref[64]
    kp = te_ref[65]
    dm = te_ref[32 + m]
    dprev = te_ref[32 + jnp.maximum(m - 1, 0)]
    is_new = jnp.logical_or(m == 0, dm != dprev)
    valid = m < nt
    p = jnp.mod(j * kp + dm, 2)
    wrap = (dm + 1) >= kp
    jn = jnp.where(wrap, j + 1, j)
    en = te_ref[96 + jnp.where(wrap, 0, dm + 1)]

    def _start(e_, j_, slot):
        pltpu.make_async_copy(gu_hbm.at[e_, pl.ds(j_ * BF, BF), :],
                              gbuf.at[slot], sems.at[0, slot]).start()
        pltpu.make_async_copy(gu_hbm.at[e_, pl.ds(DFF + j_ * BF, BF), :],
                              ubuf.at[slot], sems.at[1, slot]).start()
        pltpu.make_async_copy(d_hbm.at[e_, :, pl.ds(j_ * BF, BF)],
                              dbuf.at[slot], sems.at[2, slot]).start()

    def _wait(slot):
        pltpu.make_async_copy(gu_hbm.at[0, pl.ds(0, BF), :],
                              gbuf.at[slot], sems.at[0, slot]).wait()
        pltpu.make_async_copy(gu_hbm.at[0, pl.ds(0, BF), :],
                              ubuf.at[slot], sems.at[1, slot]).wait()
        pltpu.make_async_copy(d_hbm.at[0, :, pl.ds(0, BF)],
                              dbuf.at[slot], sems.at[2, slot]).wait()

    @pl.when(jnp.logical_and(valid, is_new))
    def _():
        @pl.when(jnp.logical_and(j == 0, m == 0))
        def _():
            _start(te_ref[0], 0, p)
        _wait(p)

        @pl.when(jn < NJ)
        def _():
            _start(en, jn, 1 - p)

    @pl.when(valid)
    def _():
        row = pl.multiple_of(m * TMG, TMG)
        x = x_ref[pl.ds(row, TMG), :]
        g = lax.dot_general(x, gbuf[p], (((1,), (1,)), ((), ())),
                            preferred_element_type=_f32)
        u = lax.dot_general(x, ubuf[p], (((1,), (1,)), ((), ())),
                            preferred_element_type=_f32)
        hb = g * jax.nn.sigmoid(g) * u
        part = lax.dot_general(hb, dbuf[p], (((1,), (1,)), ((), ())),
                               preferred_element_type=_f32)

        @pl.when(j == 0)
        def _():
            acc_ref[pl.ds(row, TMG), :] = part

        @pl.when(jnp.logical_and(j > 0, j < NJ - 1))
        def _():
            acc_ref[pl.ds(row, TMG), :] += part

        @pl.when(j == NJ - 1)
        def _():
            o_ref[...] = acc_ref[pl.ds(row, TMG), :] + part


_gmm = pl.pallas_call(
    _gmm_body,
    grid_spec=pltpu.PrefetchScalarGridSpec(
        num_scalar_prefetch=1,
        grid=(NJ, TOTAL_TILES),
        in_specs=[
            pl.BlockSpec((TOTAL_ROWS, D), lambda j, m, te: (0, 0)),
            pl.BlockSpec(memory_space=pltpu.MemorySpace.HBM),
            pl.BlockSpec(memory_space=pltpu.MemorySpace.HBM),
        ],
        out_specs=pl.BlockSpec(
            (TMG, D), lambda j, m, te: (jnp.where(j == NJ - 1, m, 0), 0)),
        scratch_shapes=[
            pltpu.VMEM((TOTAL_ROWS, D), _f32),
            pltpu.VMEM((2, BF, D), _f32),
            pltpu.VMEM((2, BF, D), _f32),
            pltpu.VMEM((2, D, BF), _f32),
            pltpu.SemaphoreType.DMA((3, 2)),
        ],
    ),
    out_shape=jax.ShapeDtypeStruct((TOTAL_ROWS, D), _f32),
    compiler_params=pltpu.CompilerParams(
        dimension_semantics=("arbitrary", "arbitrary"),
        vmem_limit_bytes=100 * 1024 * 1024,
    ),
)



@functools.cache
def _build_gather_y():
    mesh = plsc.VectorSubcoreMesh(core_axis_name="c", subcore_axis_name="s")

    @functools.partial(
        pl.kernel,
        out_type=jax.ShapeDtypeStruct((NI, D), _f32),
        mesh=mesh,
        scratch_types=[
            pltpu.VMEM((_CHUNK,), _i32),
            pltpu.VMEM((_CHUNK, D), _f32),
            pltpu.SemaphoreType.DMA,
        ],
    )
    def _gather_y(y_hbm, pos_hbm, out_hbm, pos_v, rows_v, sem):
        wid = lax.axis_index("s") * 2 + lax.axis_index("c")
        for c in range(_NCH):
            base = wid * _ROWS_PER_W + c * _CHUNK
            pltpu.sync_copy(pos_hbm.at[pl.ds(base, _CHUNK)], pos_v)
            pltpu.async_copy(y_hbm.at[pos_v], rows_v, sem).wait()
            pltpu.sync_copy(rows_v, out_hbm.at[pl.ds(base, _CHUNK)])

    return _gather_y



def _combine_body(h_ref, y_ref, w_ref, o_ref):
    w = w_ref[...]
    o_ref[...] = (h_ref[...]
                  + w[:, 0:1] * y_ref[:, 0, :]
                  + w[:, 1:2] * y_ref[:, 1, :])


_combine = pl.pallas_call(
    _combine_body,
    grid=(NT,),
    in_specs=[
        pl.BlockSpec((TM, D), lambda i: (i, 0)),
        pl.BlockSpec((TM, TOPK, D), lambda i: (i, 0, 0)),
        pl.BlockSpec((TM, TOPK), lambda i: (i, 0)),
    ],
    out_specs=pl.BlockSpec((TM, D), lambda i: (i, 0)),
    out_shape=jax.ShapeDtypeStruct((T, D), _f32),
)



def kernel(hidden_states, residual, ln_weight, ln_bias, router_weight,
           gate_up_proj, down_proj):
    b, s, d = hidden_states.shape
    hs = hidden_states.reshape(T, D)
    rs = residual.reshape(T, D)
    h, normed, w2, ids = _prologue(hs, rs, ln_weight, ln_bias, router_weight)
    pos2, tile_e = _route(ids)
    pos = pos2.reshape(NI)
    tok_ids = (jnp.arange(NI, dtype=_i32) // TOPK)
    x_sorted = _build_scatter_x()(normed, tok_ids, pos)
    y = _gmm(tile_e, x_sorted, gate_up_proj, down_proj)
    y_tok = _build_gather_y()(y, pos)
    out = _combine(h, y_tok.reshape(T, TOPK, D), w2)
    return out.reshape(b, s, d)

# --- scband reference (transcript-rebuilt; emitter-appended) ---
"""Pipeline reference for scband-epffnlayer-17669495456053 (READ-ONLY COPY).

The authoritative reference and input builder live on the scoring server;
editing this copy changes nothing except your own understanding.
"""

import jax, jax.numpy as jnp
import numpy as np

E = 8
TOPK = 2
D = 1024
DFF = 4096
B = 1
S = 2048


def setup_inputs(seed: int = 0) -> dict:
    key = jax.random.key(seed)
    ks = jax.random.split(key, 6)
    hidden_states = jax.random.normal(ks[0], (B, S, D), dtype=jnp.float32)
    residual = jax.random.normal(ks[1], (B, S, D), dtype=jnp.float32)
    ln_weight = jnp.ones((D,), dtype=jnp.float32)
    ln_bias = jnp.zeros((D,), dtype=jnp.float32)
    router_weight = jax.random.normal(ks[2], (E, D), dtype=jnp.float32) * 0.02
    gate_up_proj = jax.random.normal(ks[3], (E, 2 * DFF, D), dtype=jnp.float32) * 0.02
    down_proj = jax.random.normal(ks[4], (E, D, DFF), dtype=jnp.float32) * 0.02
    return {
        'hidden_states': hidden_states,
        'residual': residual,
        'ln_weight': ln_weight,
        'ln_bias': ln_bias,
        'router_weight': router_weight,
        'gate_up_proj': gate_up_proj,
        'down_proj': down_proj,
    }


def _layernorm(x, w, b):
    mu = jnp.mean(x, axis=-1, keepdims=True)
    var = jnp.mean((x - mu) ** 2, axis=-1, keepdims=True)
    return (x - mu) * jax.lax.rsqrt(var + 1e-5) * w + b


def _silu(x):
    return x * jax.nn.sigmoid(x)


def reference(hidden_states, residual, ln_weight, ln_bias, router_weight, gate_up_proj, down_proj):
    # residual add (coordinator path)
    h = residual + hidden_states
    residual_out = h
    normed = _layernorm(h, ln_weight, ln_bias)
    tokens = B * S
    hidden_2d = normed.reshape(tokens, D)
    # router gate: softmax over experts, top-k, renormalize
    logits = hidden_2d @ router_weight.T  # [T, E]
    probs = jax.nn.softmax(logits, axis=-1)
    routing_weights, selected_experts = jax.lax.top_k(probs, TOPK)  # [T, k]
    routing_weights = routing_weights / jnp.sum(routing_weights, axis=-1, keepdims=True)
    # sharded experts (single rank owns all experts): dense masked-weight formulation,
    # mathematically identical to the gather/index_add_ loop in ShardedExperts.forward_local
    partial = jnp.zeros((tokens, D), dtype=hidden_2d.dtype)
    for expert_id in range(E):
        mask = (selected_experts == expert_id)  # [T, k]
        w = jnp.sum(routing_weights * mask.astype(routing_weights.dtype), axis=-1)  # [T]
        gate_up = hidden_2d @ gate_up_proj[expert_id].T  # [T, 2*DFF]
        gate, up = jnp.split(gate_up, 2, axis=-1)
        hidden = _silu(gate) * up
        out = hidden @ down_proj[expert_id].T  # [T, D]
        partial = partial + w[:, None] * out
    moe_out = partial.reshape(B, S, D)
    return residual_out + moe_out

if __name__ == "__main__":
    import jax
    _d = setup_inputs()
    print(jax.jit(kernel)(*tuple(_d.values())))

</pallas_src>

<mosaic_0001>
#map = affine_map<(d0, d1) -> (0, 0)>
#map1 = affine_map<(d0, d1) -> (0)>
module attributes {stable_mosaic.version = 14 : i64} {
  func.func @_scatter_x(%arg0: i32, %arg1: i32, %arg2: memref<2048x1024xf32, #tpu.memory_space<hbm>>, %arg3: memref<4096xi32, #tpu.memory_space<hbm>>, %arg4: memref<4096xi32, #tpu.memory_space<hbm>>, %arg5: memref<6144x1024xf32, #tpu.memory_space<hbm>>, %arg6: memref<64xi32, #tpu.memory_space<vmem>>, %arg7: memref<64xi32, #tpu.memory_space<vmem>>, %arg8: memref<64x1024xf32, #tpu.memory_space<vmem>>, %arg9: memref<!tpu.dma_semaphore, #tpu.memory_space<semaphore_mem>>) attributes {dimension_semantics = [#tpu.dimension_semantics<core_parallel>, #tpu.dimension_semantics<subcore_parallel>], iteration_bounds = array<i64: 2, 16>, scalar_prefetch = 0 : i64, scratch_operands = 4 : i64, tpu.core_type = #tpu.core_type<sc_vector_subcore>, window_params = [{transform_indices = #map}, {transform_indices = #map1}, {transform_indices = #map1}, {transform_indices = #map}]} {
    %mul3A = arith.constant 2 : i32
    %mul3A_0 = arith.muli %arg1, %mul3A : i32
    %add3A = arith.addi %mul3A_0, %arg0 : i32
    %mul3A_1 = arith.constant 128 : i32
    %mul3A_2 = arith.muli %add3A, %mul3A_1 : i32
    %add3A_3 = arith.constant 0 : i32
    %add3A_4 = arith.addi %mul3A_2, %add3A_3 : i32
    "tpu.region"() ({
      %run_scoped3A = tpu.sem_alloc : memref<!tpu.dma_semaphore, #tpu.memory_space<semaphore_mem>>
      %dma_start3A_31 = tpu.memref_slice %arg3[%add3A_4] : memref<4096xi32, #tpu.memory_space<hbm>> -> memref<64xi32, #tpu.memory_space<hbm>>
      %dma_start3A_32 = tpu.memref_slice %arg3[%add3A_4] : memref<4096xi32, #tpu.memory_space<hbm>> -> memref<64xi32, #tpu.memory_space<hbm>>
      tpu.enqueue_dma source(%dma_start3A_32 : memref<64xi32, #tpu.memory_space<hbm>>) target(%arg6 : memref<64xi32, #tpu.memory_space<vmem>>) target_semaphore(%run_scoped3A : memref<!tpu.dma_semaphore, #tpu.memory_space<semaphore_mem>>)
      %dma_wait3A_33 = tpu.memref_slice %arg3[%add3A_4] : memref<4096xi32, #tpu.memory_space<hbm>> -> memref<64xi32, #tpu.memory_space<hbm>>
      %dma_wait3A_34 = tpu.memref_slice %arg3[%add3A_4] : memref<4096xi32, #tpu.memory_space<hbm>> -> memref<64xi32, #tpu.memory_space<hbm>>
      tpu.wait_dma2 semaphore(%run_scoped3A : memref<!tpu.dma_semaphore, #tpu.memory_space<semaphore_mem>>) src(%dma_wait3A_34 : memref<64xi32, #tpu.memory_space<hbm>>) dst(%arg6 : memref<64xi32, #tpu.memory_space<vmem>>)
      tpu.yield
    }) : () -> ()
    "tpu.region"() ({
      %run_scoped3A = tpu.sem_alloc : memref<!tpu.dma_semaphore, #tpu.memory_space<semaphore_mem>>
      %dma_start3A_31 = tpu.memref_slice %arg4[%add3A_4] : memref<4096xi32, #tpu.memory_space<hbm>> -> memref<64xi32, #tpu.memory_space<hbm>>
      %dma_start3A_32 = tpu.memref_slice %arg4[%add3A_4] : memref<4096xi32, #tpu.memory_space<hbm>> -> memref<64xi32, #tpu.memory_space<hbm>>
      tpu.enqueue_dma source(%dma_start3A_32 : memref<64xi32, #tpu.memory_space<hbm>>) target(%arg7 : memref<64xi32, #tpu.memory_space<vmem>>) target_semaphore(%run_scoped3A : memref<!tpu.dma_semaphore, #tpu.memory_space<semaphore_mem>>)
      %dma_wait3A_33 = tpu.memref_slice %arg4[%add3A_4] : memref<4096xi32, #tpu.memory_space<hbm>> -> memref<64xi32, #tpu.memory_space<hbm>>
      %dma_wait3A_34 = tpu.memref_slice %arg4[%add3A_4] : memref<4096xi32, #tpu.memory_space<hbm>> -> memref<64xi32, #tpu.memory_space<hbm>>
      tpu.wait_dma2 semaphore(%run_scoped3A : memref<!tpu.dma_semaphore, #tpu.memory_space<semaphore_mem>>) src(%dma_wait3A_34 : memref<64xi32, #tpu.memory_space<hbm>>) dst(%arg7 : memref<64xi32, #tpu.memory_space<vmem>>)
      tpu.yield
    }) : () -> ()
    %dma_start3A = arith.constant 0 : i32
    %dma_start3A_5 = arith.constant 0 : i32
    %dma_start3A_6 = tpu.memref_slice %arg2[%dma_start3A, %dma_start3A_5] : memref<2048x1024xf32, #tpu.memory_space<hbm>> -> memref<2048x1024xf32, #tpu.memory_space<hbm>>
    tpu.enqueue_indirect_dma source(%dma_start3A_6 : memref<2048x1024xf32, #tpu.memory_space<hbm>>) target(%arg8 : memref<64x1024xf32, #tpu.memory_space<vmem>>) offsets(%arg6 : memref<64xi32, #tpu.memory_space<vmem>>) semaphore(%arg9 : memref<!tpu.dma_semaphore, #tpu.memory_space<semaphore_mem>>)
    %dma_wait3A = arith.constant 0 : i32
    %dma_wait3A_7 = arith.constant 0 : i32
    %dma_wait3A_8 = tpu.memref_slice %arg2[%dma_wait3A, %dma_wait3A_7] : memref<2048x1024xf32, #tpu.memory_space<hbm>> -> memref<2048x1024xf32, #tpu.memory_space<hbm>>
    tpu.wait_indirect_dma semaphore(%arg9 : memref<!tpu.dma_semaphore, #tpu.memory_space<semaphore_mem>>) src(%dma_wait3A_8 : memref<2048x1024xf32, #tpu.memory_space<hbm>>) dst(%arg8 : memref<64x1024xf32, #tpu.memory_space<vmem>>)
    %dma_start3A_9 = arith.constant 0 : i32
    %dma_start3A_10 = arith.constant 0 : i32
    %dma_start3A_11 = tpu.memref_slice %arg5[%dma_start3A_9, %dma_start3A_10] : memref<6144x1024xf32, #tpu.memory_space<hbm>> -> memref<6144x1024xf32, #tpu.memory_space<hbm>>
    tpu.enqueue_indirect_dma source(%arg8 : memref<64x1024xf32, #tpu.memory_space<vmem>>) target(%dma_start3A_11 : memref<6144x1024xf32, #tpu.memory_space<hbm>>) offsets(%arg7 : memref<64xi32, #tpu.memory_space<vmem>>) semaphore(%arg9 : memref<!tpu.dma_semaphore, #tpu.memory_space<semaphore_mem>>)
    %dma_wait3A_12 = arith.constant 0 : i32
    %dma_wait3A_13 = arith.constant 0 : i32
    %dma_wait3A_14 = tpu.memref_slice %arg5[%dma_wait3A_12, %dma_wait3A_13] : memref<6144x1024xf32, #tpu.memory_space<hbm>> -> memref<6144x1024xf32, #tpu.memory_space<hbm>>
    tpu.wait_indirect_dma semaphore(%arg9 : memref<!tpu.dma_semaphore, #tpu.memory_space<semaphore_mem>>) src(%arg8 : memref<64x1024xf32, #tpu.memory_space<vmem>>) dst(%dma_wait3A_14 : memref<6144x1024xf32, #tpu.memory_space<hbm>>)
    %mul3A_15 = arith.constant 128 : i32
    %mul3A_16 = arith.muli %add3A, %mul3A_15 : i32
    %add3A_17 = arith.constant 64 : i32
    %add3A_18 = arith.addi %mul3A_16, %add3A_17 : i32
    "tpu.region"() ({
      %run_scoped3A = tpu.sem_alloc : memref<!tpu.dma_semaphore, #tpu.memory_space<semaphore_mem>>
      %dma_start3A_31 = tpu.memref_slice %arg3[%add3A_18] : memref<4096xi32, #tpu.memory_space<hbm>> -> memref<64xi32, #tpu.memory_space<hbm>>
      %dma_start3A_32 = tpu.memref_slice %arg3[%add3A_18] : memref<4096xi32, #tpu.memory_space<hbm>> -> memref<64xi32, #tpu.memory_space<hbm>>
      tpu.enqueue_dma source(%dma_start3A_32 : memref<64xi32, #tpu.memory_space<hbm>>) target(%arg6 : memref<64xi32, #tpu.memory_space<vmem>>) target_semaphore(%run_scoped3A : memref<!tpu.dma_semaphore, #tpu.memory_space<semaphore_mem>>)
      %dma_wait3A_33 = tpu.memref_slice %arg3[%add3A_18] : memref<4096xi32, #tpu.memory_space<hbm>> -> memref<64xi32, #tpu.memory_space<hbm>>
      %dma_wait3A_34 = tpu.memref_slice %arg3[%add3A_18] : memref<4096xi32, #tpu.memory_space<hbm>> -> memref<64xi32, #tpu.memory_space<hbm>>
      tpu.wait_dma2 semaphore(%run_scoped3A : memref<!tpu.dma_semaphore, #tpu.memory_space<semaphore_mem>>) src(%dma_wait3A_34 : memref<64xi32, #tpu.memory_space<hbm>>) dst(%arg6 : memref<64xi32, #tpu.memory_space<vmem>>)
      tpu.yield
    }) : () -> ()
    "tpu.region"() ({
      %run_scoped3A = tpu.sem_alloc : memref<!tpu.dma_semaphore, #tpu.memory_space<semaphore_mem>>
      %dma_start3A_31 = tpu.memref_slice %arg4[%add3A_18] : memref<4096xi32, #tpu.memory_space<hbm>> -> memref<64xi32, #tpu.memory_space<hbm>>
      %dma_start3A_32 = tpu.memref_slice %arg4[%add3A_18] : memref<4096xi32, #tpu.memory_space<hbm>> -> memref<64xi32, #tpu.memory_space<hbm>>
      tpu.enqueue_dma source(%dma_start3A_32 : memref<64xi32, #tpu.memory_space<hbm>>) target(%arg7 : memref<64xi32, #tpu.memory_space<vmem>>) target_semaphore(%run_scoped3A : memref<!tpu.dma_semaphore, #tpu.memory_space<semaphore_mem>>)
      %dma_wait3A_33 = tpu.memref_slice %arg4[%add3A_18] : memref<4096xi32, #tpu.memory_space<hbm>> -> memref<64xi32, #tpu.memory_space<hbm>>
      %dma_wait3A_34 = tpu.memref_slice %arg4[%add3A_18] : memref<4096xi32, #tpu.memory_space<hbm>> -> memref<64xi32, #tpu.memory_space<hbm>>
      tpu.wait_dma2 semaphore(%run_scoped3A : memref<!tpu.dma_semaphore, #tpu.memory_space<semaphore_mem>>) src(%dma_wait3A_34 : memref<64xi32, #tpu.memory_space<hbm>>) dst(%arg7 : memref<64xi32, #tpu.memory_space<vmem>>)
      tpu.yield
    }) : () -> ()
    %dma_start3A_19 = arith.constant 0 : i32
    %dma_start3A_20 = arith.constant 0 : i32
    %dma_start3A_21 = tpu.memref_slice %arg2[%dma_start3A_19, %dma_start3A_20] : memref<2048x1024xf32, #tpu.memory_space<hbm>> -> memref<2048x1024xf32, #tpu.memory_space<hbm>>
    tpu.enqueue_indirect_dma source(%dma_start3A_21 : memref<2048x1024xf32, #tpu.memory_space<hbm>>) target(%arg8 : memref<64x1024xf32, #tpu.memory_space<vmem>>) offsets(%arg6 : memref<64xi32, #tpu.memory_space<vmem>>) semaphore(%arg9 : memref<!tpu.dma_semaphore, #tpu.memory_space<semaphore_mem>>)
    %dma_wait3A_22 = arith.constant 0 : i32
    %dma_wait3A_23 = arith.constant 0 : i32
    %dma_wait3A_24 = tpu.memref_slice %arg2[%dma_wait3A_22, %dma_wait3A_23] : memref<2048x1024xf32, #tpu.memory_space<hbm>> -> memref<2048x1024xf32, #tpu.memory_space<hbm>>
    tpu.wait_indirect_dma semaphore(%arg9 : memref<!tpu.dma_semaphore, #tpu.memory_space<semaphore_mem>>) src(%dma_wait3A_24 : memref<2048x1024xf32, #tpu.memory_space<hbm>>) dst(%arg8 : memref<64x1024xf32, #tpu.memory_space<vmem>>)
    %dma_start3A_25 = arith.constant 0 : i32
    %dma_start3A_26 = arith.constant 0 : i32
    %dma_start3A_27 = tpu.memref_slice %arg5[%dma_start3A_25, %dma_start3A_26] : memref<6144x1024xf32, #tpu.memory_space<hbm>> -> memref<6144x1024xf32, #tpu.memory_space<hbm>>
    tpu.enqueue_indirect_dma source(%arg8 : memref<64x1024xf32, #tpu.memory_space<vmem>>) target(%dma_start3A_27 : memref<6144x1024xf32, #tpu.memory_space<hbm>>) offsets(%arg7 : memref<64xi32, #tpu.memory_space<vmem>>) semaphore(%arg9 : memref<!tpu.dma_semaphore, #tpu.memory_space<semaphore_mem>>)
    %dma_wait3A_28 = arith.constant 0 : i32
    %dma_wait3A_29 = arith.constant 0 : i32
    %dma_wait3A_30 = tpu.memref_slice %arg5[%dma_wait3A_28, %dma_wait3A_29] : memref<6144x1024xf32, #tpu.memory_space<hbm>> -> memref<6144x1024xf32, #tpu.memory_space<hbm>>
    tpu.wait_indirect_dma semaphore(%arg9 : memref<!tpu.dma_semaphore, #tpu.memory_space<semaphore_mem>>) src(%arg8 : memref<64x1024xf32, #tpu.memory_space<vmem>>) dst(%dma_wait3A_30 : memref<6144x1024xf32, #tpu.memory_space<hbm>>)
    return
  }
}

#map = affine_map<(d0, d1) -> (0, 0)>
#map1 = affine_map<(d0, d1) -> (0)>
module attributes {stable_mosaic.version = 14 : i64} {
  func.func @_gather_y(%arg0: i32, %arg1: i32, %arg2: memref<6144x1024xf32, #tpu.memory_space<hbm>>, %arg3: memref<4096xi32, #tpu.memory_space<hbm>>, %arg4: memref<4096x1024xf32, #tpu.memory_space<hbm>>, %arg5: memref<64xi32, #tpu.memory_space<vmem>>, %arg6: memref<64x1024xf32, #tpu.memory_space<vmem>>, %arg7: memref<!tpu.dma_semaphore, #tpu.memory_space<semaphore_mem>>) attributes {dimension_semantics = [#tpu.dimension_semantics<core_parallel>, #tpu.dimension_semantics<subcore_parallel>], iteration_bounds = array<i64: 2, 16>, scalar_prefetch = 0 : i64, scratch_operands = 3 : i64, tpu.core_type = #tpu.core_type<sc_vector_subcore>, window_params = [{transform_indices = #map}, {transform_indices = #map1}, {transform_indices = #map}]} {
    %mul3A = arith.constant 2 : i32
    %mul3A_0 = arith.muli %arg1, %mul3A : i32
    %add3A = arith.addi %mul3A_0, %arg0 : i32
    %mul3A_1 = arith.constant 128 : i32
    %mul3A_2 = arith.muli %add3A, %mul3A_1 : i32
    %add3A_3 = arith.constant 0 : i32
    %add3A_4 = arith.addi %mul3A_2, %add3A_3 : i32
    "tpu.region"() ({
      %run_scoped3A = tpu.sem_alloc : memref<!tpu.dma_semaphore, #tpu.memory_space<semaphore_mem>>
      %dma_start3A_19 = tpu.memref_slice %arg3[%add3A_4] : memref<4096xi32, #tpu.memory_space<hbm>> -> memref<64xi32, #tpu.memory_space<hbm>>
      %dma_start3A_20 = tpu.memref_slice %arg3[%add3A_4] : memref<4096xi32, #tpu.memory_space<hbm>> -> memref<64xi32, #tpu.memory_space<hbm>>
      tpu.enqueue_dma source(%dma_start3A_20 : memref<64xi32, #tpu.memory_space<hbm>>) target(%arg5 : memref<64xi32, #tpu.memory_space<vmem>>) target_semaphore(%run_scoped3A : memref<!tpu.dma_semaphore, #tpu.memory_space<semaphore_mem>>)
      %dma_wait3A_21 = tpu.memref_slice %arg3[%add3A_4] : memref<4096xi32, #tpu.memory_space<hbm>> -> memref<64xi32, #tpu.memory_space<hbm>>
      %dma_wait3A_22 = tpu.memref_slice %arg3[%add3A_4] : memref<4096xi32, #tpu.memory_space<hbm>> -> memref<64xi32, #tpu.memory_space<hbm>>
      tpu.wait_dma2 semaphore(%run_scoped3A : memref<!tpu.dma_semaphore, #tpu.memory_space<semaphore_mem>>) src(%dma_wait3A_22 : memref<64xi32, #tpu.memory_space<hbm>>) dst(%arg5 : memref<64xi32, #tpu.memory_space<vmem>>)
      tpu.yield
    }) : () -> ()
    %dma_start3A = arith.constant 0 : i32
    %dma_start3A_5 = arith.constant 0 : i32
    %dma_start3A_6 = tpu.memref_slice %arg2[%dma_start3A, %dma_start3A_5] : memref<6144x1024xf32, #tpu.memory_space<hbm>> -> memref<6144x1024xf32, #tpu.memory_space<hbm>>
    tpu.enqueue_indirect_dma source(%dma_start3A_6 : memref<6144x1024xf32, #tpu.memory_space<hbm>>) target(%arg6 : memref<64x1024xf32, #tpu.memory_space<vmem>>) offsets(%arg5 : memref<64xi32, #tpu.memory_space<vmem>>) semaphore(%arg7 : memref<!tpu.dma_semaphore, #tpu.memory_space<semaphore_mem>>)
    %dma_wait3A = arith.constant 0 : i32
    %dma_wait3A_7 = arith.constant 0 : i32
    %dma_wait3A_8 = tpu.memref_slice %arg2[%dma_wait3A, %dma_wait3A_7] : memref<6144x1024xf32, #tpu.memory_space<hbm>> -> memref<6144x1024xf32, #tpu.memory_space<hbm>>
    tpu.wait_indirect_dma semaphore(%arg7 : memref<!tpu.dma_semaphore, #tpu.memory_space<semaphore_mem>>) src(%dma_wait3A_8 : memref<6144x1024xf32, #tpu.memory_space<hbm>>) dst(%arg6 : memref<64x1024xf32, #tpu.memory_space<vmem>>)
    "tpu.region"() ({
      %run_scoped3A = tpu.sem_alloc : memref<!tpu.dma_semaphore, #tpu.memory_space<semaphore_mem>>
      %dma_start3A_19 = arith.constant 0 : i32
      %dma_start3A_20 = tpu.memref_slice %arg4[%add3A_4, %dma_start3A_19] : memref<4096x1024xf32, #tpu.memory_space<hbm>> -> memref<64x1024xf32, #tpu.memory_space<hbm>>
      %dma_start3A_21 = arith.constant 0 : i32
      %dma_start3A_22 = tpu.memref_slice %arg4[%add3A_4, %dma_start3A_21] : memref<4096x1024xf32, #tpu.memory_space<hbm>> -> memref<64x1024xf32, #tpu.memory_space<hbm>>
      tpu.enqueue_dma source(%arg6 : memref<64x1024xf32, #tpu.memory_space<vmem>>) target(%dma_start3A_22 : memref<64x1024xf32, #tpu.memory_space<hbm>>) target_semaphore(%run_scoped3A : memref<!tpu.dma_semaphore, #tpu.memory_space<semaphore_mem>>)
      %dma_wait3A_23 = arith.constant 0 : i32
      %dma_wait3A_24 = tpu.memref_slice %arg4[%add3A_4, %dma_wait3A_23] : memref<4096x1024xf32, #tpu.memory_space<hbm>> -> memref<64x1024xf32, #tpu.memory_space<hbm>>
      %dma_wait3A_25 = arith.constant 0 : i32
      %dma_wait3A_26 = tpu.memref_slice %arg4[%add3A_4, %dma_wait3A_25] : memref<4096x1024xf32, #tpu.memory_space<hbm>> -> memref<64x1024xf32, #tpu.memory_space<hbm>>
      tpu.wait_dma2 semaphore(%run_scoped3A : memref<!tpu.dma_semaphore, #tpu.memory_space<semaphore_mem>>) src(%arg6 : memref<64x1024xf32, #tpu.memory_space<vmem>>) dst(%dma_wait3A_26 : memref<64x1024xf32, #tpu.memory_space<hbm>>)
      tpu.yield
    }) : () -> ()
    %mul3A_9 = arith.constant 128 : i32
    %mul3A_10 = arith.muli %add3A, %mul3A_9 : i32
    %add3A_11 = arith.constant 64 : i32
    %add3A_12 = arith.addi %mul3A_10, %add3A_11 : i32
    "tpu.region"() ({
      %run_scoped3A = tpu.sem_alloc : memref<!tpu.dma_semaphore, #tpu.memory_space<semaphore_mem>>
      %dma_start3A_19 = tpu.memref_slice %arg3[%add3A_12] : memref<4096xi32, #tpu.memory_space<hbm>> -> memref<64xi32, #tpu.memory_space<hbm>>
      %dma_start3A_20 = tpu.memref_slice %arg3[%add3A_12] : memref<4096xi32, #tpu.memory_space<hbm>> -> memref<64xi32, #tpu.memory_space<hbm>>
      tpu.enqueue_dma source(%dma_start3A_20 : memref<64xi32, #tpu.memory_space<hbm>>) target(%arg5 : memref<64xi32, #tpu.memory_space<vmem>>) target_semaphore(%run_scoped3A : memref<!tpu.dma_semaphore, #tpu.memory_space<semaphore_mem>>)
      %dma_wait3A_21 = tpu.memref_slice %arg3[%add3A_12] : memref<4096xi32, #tpu.memory_space<hbm>> -> memref<64xi32, #tpu.memory_space<hbm>>
      %dma_wait3A_22 = tpu.memref_slice %arg3[%add3A_12] : memref<4096xi32, #tpu.memory_space<hbm>> -> memref<64xi32, #tpu.memory_space<hbm>>
      tpu.wait_dma2 semaphore(%run_scoped3A : memref<!tpu.dma_semaphore, #tpu.memory_space<semaphore_mem>>) src(%dma_wait3A_22 : memref<64xi32, #tpu.memory_space<hbm>>) dst(%arg5 : memref<64xi32, #tpu.memory_space<vmem>>)
      tpu.yield
    }) : () -> ()
    %dma_start3A_13 = arith.constant 0 : i32
    %dma_start3A_14 = arith.constant 0 : i32
    %dma_start3A_15 = tpu.memref_slice %arg2[%dma_start3A_13, %dma_start3A_14] : memref<6144x1024xf32, #tpu.memory_space<hbm>> -> memref<6144x1024xf32, #tpu.memory_space<hbm>>
    tpu.enqueue_indirect_dma source(%dma_start3A_15 : memref<6144x1024xf32, #tpu.memory_space<hbm>>) target(%arg6 : memref<64x1024xf32, #tpu.memory_space<vmem>>) offsets(%arg5 : memref<64xi32, #tpu.memory_space<vmem>>) semaphore(%arg7 : memref<!tpu.dma_semaphore, #tpu.memory_space<semaphore_mem>>)
    %dma_wait3A_16 = arith.constant 0 : i32
    %dma_wait3A_17 = arith.constant 0 : i32
    %dma_wait3A_18 = tpu.memref_slice %arg2[%dma_wait3A_16, %dma_wait3A_17] : memref<6144x1024xf32, #tpu.memory_space<hbm>> -> memref<6144x1024xf32, #tpu.memory_space<hbm>>
    tpu.wait_indirect_dma semaphore(%arg7 : memref<!tpu.dma_semaphore, #tpu.memory_space<semaphore_mem>>) src(%dma_wait3A_18 : memref<6144x1024xf32, #tpu.memory_space<hbm>>) dst(%arg6 : memref<64x1024xf32, #tpu.memory_space<vmem>>)
    "tpu.region"() ({
      %run_scoped3A = tpu.sem_alloc : memref<!tpu.dma_semaphore, #tpu.memory_space<semaphore_mem>>
      %dma_start3A_19 = arith.constant 0 : i32
      %dma_start3A_20 = tpu.memref_slice %arg4[%add3A_12, %dma_start3A_19] : memref<4096x1024xf32, #tpu.memory_space<hbm>> -> memref<64x1024xf32, #tpu.memory_space<hbm>>
      %dma_start3A_21 = arith.constant 0 : i32
      %dma_start3A_22 = tpu.memref_slice %arg4[%add3A_12, %dma_start3A_21] : memref<4096x1024xf32, #tpu.memory_space<hbm>> -> memref<64x1024xf32, #tpu.memory_space<hbm>>
      tpu.enqueue_dma source(%arg6 : memref<64x1024xf32, #tpu.memory_space<vmem>>) target(%dma_start3A_22 : memref<64x1024xf32, #tpu.memory_space<hbm>>) target_semaphore(%run_scoped3A : memref<!tpu.dma_semaphore, #tpu.memory_space<semaphore_mem>>)
      %dma_wait3A_23 = arith.constant 0 : i32
      %dma_wait3A_24 = tpu.memref_slice %arg4[%add3A_12, %dma_wait3A_23] : memref<4096x1024xf32, #tpu.memory_space<hbm>> -> memref<64x1024xf32, #tpu.memory_space<hbm>>
      %dma_wait3A_25 = arith.constant 0 : i32
      %dma_wait3A_26 = tpu.memref_slice %arg4[%add3A_12, %dma_wait3A_25] : memref<4096x1024xf32, #tpu.memory_space<hbm>> -> memref<64x1024xf32, #tpu.memory_space<hbm>>
      tpu.wait_dma2 semaphore(%run_scoped3A : memref<!tpu.dma_semaphore, #tpu.memory_space<semaphore_mem>>) src(%arg6 : memref<64x1024xf32, #tpu.memory_space<vmem>>) dst(%dma_wait3A_26 : memref<64x1024xf32, #tpu.memory_space<hbm>>)
      tpu.yield
    }) : () -> ()
    return
  }
}

module attributes {stable_mosaic.version = 14 : i64} {
  func.func @_route_body(%arg0: i32, %arg1: memref<2048x2xi32, #tpu.memory_space<vmem>>, %arg2: memref<2048x2xi32, #tpu.memory_space<vmem>>, %arg3: memref<128xi32, #tpu.memory_space<vmem>>) attributes {dimension_semantics = [#tpu.dimension_semantics<arbitrary>], iteration_bounds = array<i64: 1>, scalar_prefetch = 0 : i64, scratch_operands = 0 : i64, tpu.core_type = #tpu.core_type<tc>, window_params = [{pipeline_mode = #tpu.pipeline_mode<synchronous>, transform_indices = @transform_0, window_bounds = array<i64: 2048, 2>}, {pipeline_mode = #tpu.pipeline_mode<synchronous>, transform_indices = @transform_1, window_bounds = array<i64: 2048, 2>}, {pipeline_mode = #tpu.pipeline_mode<synchronous>, transform_indices = @transform_2, window_bounds = array<i64: 128>}]} {
    %get3A = arith.constant 0 : index
    %get3A_0 = arith.constant 0 : index
    %get3A_1 = vector.load %arg1[%get3A, %get3A_0] : memref<2048x2xi32, #tpu.memory_space<vmem>>, vector<2048x2xi32>
    %iota3A = tpu.iota {dimensions = array<i32: 1>} : vector<2048x8xi32>
    %slice3A = vector.extract_strided_slice %get3A_1 {offsets = [0, 0], sizes = [2048, 1], strides = [1, 1]} : vector<2048x2xi32> to vector<2048x1xi32>
    %eq3A = vector.broadcast %slice3A : vector<2048x1xi32> to vector<2048x8xi32>
    %eq3A_2 = arith.cmpi eq, %eq3A, %iota3A : vector<2048x8xi32>
    %slice3A_3 = vector.extract_strided_slice %get3A_1 {offsets = [0, 1], sizes = [2048, 1], strides = [1, 1]} : vector<2048x2xi32> to vector<2048x1xi32>
    %eq3A_4 = vector.broadcast %slice3A_3 : vector<2048x1xi32> to vector<2048x8xi32>
    %eq3A_5 = arith.cmpi eq, %eq3A_4, %iota3A : vector<2048x8xi32>
    %convert_element_type3A = arith.extui %eq3A_2 : vector<2048x8xi1> to vector<2048x8xi32>
    %convert_element_type3A_6 = arith.sitofp %convert_element_type3A : vector<2048x8xi32> to vector<2048x8xf32>
    %convert_element_type3A_7 = arith.extui %eq3A_5 : vector<2048x8xi1> to vector<2048x8xi32>
    %convert_element_type3A_8 = arith.sitofp %convert_element_type3A_7 : vector<2048x8xi32> to vector<2048x8xf32>
    %add3A = arith.addf %convert_element_type3A_6, %convert_element_type3A_8 : vector<2048x8xf32>
    %iota3A_9 = tpu.iota {dimensions = array<i32: 1>} : vector<512x512xi32>
    %iota3A_10 = tpu.iota {dimensions = array<i32: 0>} : vector<512x512xi32>
    %lt3A = arith.cmpi slt, %iota3A_9, %iota3A_10 : vector<512x512xi32>
    %convert_element_type3A_11 = arith.extui %lt3A : vector<512x512xi1> to vector<512x512xi32>
    %convert_element_type3A_12 = arith.sitofp %convert_element_type3A_11 : vector<512x512xi32> to vector<512x512xf32>
    %broadcast_in_dim3A = arith.constant 0.000000e+00 : f32
    %broadcast_in_dim3A_13 = vector.broadcast %broadcast_in_dim3A : f32 to vector<1x8xf32>
    %slice3A_14 = vector.extract_strided_slice %add3A {offsets = [0, 0], sizes = [512, 8], strides = [1, 1]} : vector<2048x8xf32> to vector<512x8xf32>
    %dot_general3A = arith.constant dense<0.000000e+00> : vector<512x8xf32>
    %dot_general3A_15 = tpu.matmul %convert_element_type3A_12, %slice3A_14, %dot_general3A {dimension_numbers = #tpu.dot_dimension_numbers<[1], [0], [0], [1], [0, 0, 1, 1], [], []>, transpose_lhs_hint = false} : vector<512x512xf32>, vector<512x8xf32>, vector<512x8xf32> -> vector<512x8xf32>
    %add3A_16 = vector.broadcast %broadcast_in_dim3A_13 : vector<1x8xf32> to vector<512x8xf32>
    %add3A_17 = arith.addf %dot_general3A_15, %add3A_16 : vector<512x8xf32>
    %reduce_sum3A = arith.constant dense<0.000000e+00> : vector<8xf32>
    %reduce_sum3A_18 = vector.multi_reduction <add>, %slice3A_14, %reduce_sum3A [0] : vector<512x8xf32> to vector<8xf32>
    %broadcast_in_dim3A_19 = vector.shape_cast %reduce_sum3A_18 : vector<8xf32> to vector<1x8xf32>
    %add3A_20 = arith.addf %broadcast_in_dim3A_13, %broadcast_in_dim3A_19 : vector<1x8xf32>
    %slice3A_21 = vector.extract_strided_slice %add3A {offsets = [512, 0], sizes = [512, 8], strides = [1, 1]} : vector<2048x8xf32> to vector<512x8xf32>
    %dot_general3A_22 = arith.constant dense<0.000000e+00> : vector<512x8xf32>
    %dot_general3A_23 = tpu.matmul %convert_element_type3A_12, %slice3A_21, %dot_general3A_22 {dimension_numbers = #tpu.dot_dimension_numbers<[1], [0], [0], [1], [0, 0, 1, 1], [], []>, transpose_lhs_hint = false} : vector<512x512xf32>, vector<512x8xf32>, vector<512x8xf32> -> vector<512x8xf32>
    %add3A_24 = vector.broadcast %add3A_20 : vector<1x8xf32> to vector<512x8xf32>
    %add3A_25 = arith.addf %dot_general3A_23, %add3A_24 : vector<512x8xf32>
    %reduce_sum3A_26 = arith.constant dense<0.000000e+00> : vector<8xf32>
    %reduce_sum3A_27 = vector.multi_reduction <add>, %slice3A_21, %reduce_sum3A_26 [0] : vector<512x8xf32> to vector<8xf32>
    %broadcast_in_dim3A_28 = vector.shape_cast %reduce_sum3A_27 : vector<8xf32> to vector<1x8xf32>
    %add3A_29 = arith.addf %add3A_20, %broadcast_in_dim3A_28 : vector<1x8xf32>
    %slice3A_30 = vector.extract_strided_slice %add3A {offsets = [1024, 0], sizes = [512, 8], strides = [1, 1]} : vector<2048x8xf32> to vector<512x8xf32>
    %dot_general3A_31 = arith.constant dense<0.000000e+00> : vector<512x8xf32>
    %dot_general3A_32 = tpu.matmul %convert_element_type3A_12, %slice3A_30, %dot_general3A_31 {dimension_numbers = #tpu.dot_dimension_numbers<[1], [0], [0], [1], [0, 0, 1, 1], [], []>, transpose_lhs_hint = false} : vector<512x512xf32>, vector<512x8xf32>, vector<512x8xf32> -> vector<512x8xf32>
    %add3A_33 = vector.broadcast %add3A_29 : vector<1x8xf32> to vector<512x8xf32>
    %add3A_34 = arith.addf %dot_general3A_32, %add3A_33 : vector<512x8xf32>
    %reduce_sum3A_35 = arith.constant dense<0.000000e+00> : vector<8xf32>
    %reduce_sum3A_36 = vector.multi_reduction <add>, %slice3A_30, %reduce_sum3A_35 [0] : vector<512x8xf32> to vector<8xf32>
    %broadcast_in_dim3A_37 = vector.shape_cast %reduce_sum3A_36 : vector<8xf32> to vector<1x8xf32>
    %add3A_38 = arith.addf %add3A_29, %broadcast_in_dim3A_37 : vector<1x8xf32>
    %slice3A_39 = vector.extract_strided_slice %add3A {offsets = [1536, 0], sizes = [512, 8], strides = [1, 1]} : vector<2048x8xf32> to vector<512x8xf32>
    %dot_general3A_40 = arith.constant dense<0.000000e+00> : vector<512x8xf32>
    %dot_general3A_41 = tpu.matmul %convert_element_type3A_12, %slice3A_39, %dot_general3A_40 {dimension_numbers = #tpu.dot_dimension_numbers<[1], [0], [0], [1], [0, 0, 1, 1], [], []>, transpose_lhs_hint = false} : vector<512x512xf32>, vector<512x8xf32>, vector<512x8xf32> -> vector<512x8xf32>
    %add3A_42 = vector.broadcast %add3A_38 : vector<1x8xf32> to vector<512x8xf32>
    %add3A_43 = arith.addf %dot_general3A_41, %add3A_42 : vector<512x8xf32>
    %reduce_sum3A_44 = arith.constant dense<0.000000e+00> : vector<8xf32>
    %reduce_sum3A_45 = vector.multi_reduction <add>, %slice3A_39, %reduce_sum3A_44 [0] : vector<512x8xf32> to vector<8xf32>
    %broadcast_in_dim3A_46 = vector.shape_cast %reduce_sum3A_45 : vector<8xf32> to vector<1x8xf32>
    %add3A_47 = arith.addf %add3A_38, %broadcast_in_dim3A_46 : vector<1x8xf32>
    %concatenate3A = tpu.concatenate %add3A_17, %add3A_25, %add3A_34, %add3A_43 in 0 : vector<512x8xf32>, vector<512x8xf32>, vector<512x8xf32>, vector<512x8xf32> -> vector<2048x8xf32>
    %add3A_48 = arith.constant 2.550000e+02 : f32
    %add3A_49 = vector.broadcast %add3A_48 : f32 to vector<1x8xf32>
    %add3A_50 = arith.addf %add3A_47, %add3A_49 : vector<1x8xf32>
    %div3A = arith.constant 2.560000e+02 : f32
    %div3A_51 = vector.broadcast %div3A : f32 to vector<1x8xf32>
    %div3A_52 = arith.divf %add3A_50, %div3A_51 : vector<1x8xf32>
    %floor3A = math.floor %div3A_52 : vector<1x8xf32>
    %iota3A_53 = tpu.iota {dimensions = array<i32: 0>} : vector<8x8xi32>
    %iota3A_54 = tpu.iota {dimensions = array<i32: 1>} : vector<8x8xi32>
    %le3A = arith.cmpi sle, %iota3A_53, %iota3A_54 : vector<8x8xi32>
    %convert_element_type3A_55 = arith.extui %le3A : vector<8x8xi1> to vector<8x8xi32>
    %convert_element_type3A_56 = arith.sitofp %convert_element_type3A_55 : vector<8x8xi32> to vector<8x8xf32>
    %dot_general3A_57 = arith.constant dense<0.000000e+00> : vector<1x8xf32>
    %dot_general3A_58 = tpu.matmul %floor3A, %convert_element_type3A_56, %dot_general3A_57 {dimension_numbers = #tpu.dot_dimension_numbers<[1], [0], [0], [1], [0, 0, 1, 1], [], []>, transpose_lhs_hint = false} : vector<1x8xf32>, vector<8x8xf32>, vector<1x8xf32> -> vector<1x8xf32>
    %sub3A = arith.subf %dot_general3A_58, %floor3A : vector<1x8xf32>
    %mul3A = arith.constant 2.560000e+02 : f32
    %mul3A_59 = vector.broadcast %mul3A : f32 to vector<1x8xf32>
    %mul3A_60 = arith.mulf %sub3A, %mul3A_59 : vector<1x8xf32>
    %jit3A = arith.constant 0.000000e+00 : f32
    %broadcast_in_dim3A_61 = vector.broadcast %jit3A : f32 to vector<2048x8xf32>
    %select_n3A = arith.select %eq3A_2, %concatenate3A, %broadcast_in_dim3A_61 : vector<2048x8xi1>, vector<2048x8xf32>
    %reduce_sum3A_62 = arith.constant dense<0.000000e+00> : vector<2048xf32>
    %reduce_sum3A_63 = vector.multi_reduction <add>, %select_n3A, %reduce_sum3A_62 [1] : vector<2048x8xf32> to vector<2048xf32>
    %broadcast_in_dim3A_64 = vector.shape_cast %reduce_sum3A_63 : vector<2048xf32> to vector<2048x1xf32>
    %convert_element_type3A_65 = arith.extui %eq3A_2 : vector<2048x8xi1> to vector<2048x8xi32>
    %convert_element_type3A_66 = arith.sitofp %convert_element_type3A_65 : vector<2048x8xi32> to vector<2048x8xf32>
    %add3A_67 = arith.addf %concatenate3A, %convert_element_type3A_66 : vector<2048x8xf32>
    %jit3A_68 = arith.constant 0.000000e+00 : f32
    %broadcast_in_dim3A_69 = vector.broadcast %jit3A_68 : f32 to vector<2048x8xf32>
    %select_n3A_70 = arith.select %eq3A_5, %add3A_67, %broadcast_in_dim3A_69 : vector<2048x8xi1>, vector<2048x8xf32>
    %reduce_sum3A_71 = arith.constant dense<0.000000e+00> : vector<2048xf32>
    %reduce_sum3A_72 = vector.multi_reduction <add>, %select_n3A_70, %reduce_sum3A_71 [1] : vector<2048x8xf32> to vector<2048xf32>
    %broadcast_in_dim3A_73 = vector.shape_cast %reduce_sum3A_72 : vector<2048xf32> to vector<2048x1xf32>
    %jit3A_74 = arith.constant 0.000000e+00 : f32
    %broadcast_in_dim3A_75 = vector.shape_cast %mul3A_60 : vector<1x8xf32> to vector<1x8xf32>
    %broadcast_in_dim3A_76 = vector.broadcast %broadcast_in_dim3A_75 : vector<1x8xf32> to vector<2048x8xf32>
    %broadcast_in_dim3A_77 = vector.broadcast %jit3A_74 : f32 to vector<2048x8xf32>
    %select_n3A_78 = arith.select %eq3A_2, %broadcast_in_dim3A_76, %broadcast_in_dim3A_77 : vector<2048x8xi1>, vector<2048x8xf32>
    %reduce_sum3A_79 = arith.constant dense<0.000000e+00> : vector<2048xf32>
    %reduce_sum3A_80 = vector.multi_reduction <add>, %select_n3A_78, %reduce_sum3A_79 [1] : vector<2048x8xf32> to vector<2048xf32>
    %broadcast_in_dim3A_81 = vector.shape_cast %reduce_sum3A_80 : vector<2048xf32> to vector<2048x1xf32>
    %jit3A_82 = arith.constant 0.000000e+00 : f32
    %broadcast_in_dim3A_83 = vector.shape_cast %mul3A_60 : vector<1x8xf32> to vector<1x8xf32>
    %broadcast_in_dim3A_84 = vector.broadcast %broadcast_in_dim3A_83 : vector<1x8xf32> to vector<2048x8xf32>
    %broadcast_in_dim3A_85 = vector.broadcast %jit3A_82 : f32 to vector<2048x8xf32>
    %select_n3A_86 = arith.select %eq3A_5, %broadcast_in_dim3A_84, %broadcast_in_dim3A_85 : vector<2048x8xi1>, vector<2048x8xf32>
    %reduce_sum3A_87 = arith.constant dense<0.000000e+00> : vector<2048xf32>
    %reduce_sum3A_88 = vector.multi_reduction <add>, %select_n3A_86, %reduce_sum3A_87 [1] : vector<2048x8xf32> to vector<2048xf32>
    %broadcast_in_dim3A_89 = vector.shape_cast %reduce_sum3A_88 : vector<2048xf32> to vector<2048x1xf32>
    %add3A_90 = arith.addf %broadcast_in_dim3A_64, %broadcast_in_dim3A_81 : vector<2048x1xf32>
    %add3A_91 = arith.addf %broadcast_in_dim3A_73, %broadcast_in_dim3A_89 : vector<2048x1xf32>
    %concatenate3A_92 = tpu.concatenate %add3A_90, %add3A_91 in 1 : vector<2048x1xf32>, vector<2048x1xf32> -> vector<2048x2xf32>
    %convert_element_type3A_93 = arith.fptosi %concatenate3A_92 : vector<2048x2xf32> to vector<2048x2xi32>
    %swap3A = arith.constant 0 : index
    %swap3A_94 = arith.constant 0 : index
    %swap3A_95 = vector.load %arg2[%swap3A, %swap3A_94] : memref<2048x2xi32, #tpu.memory_space<vmem>>, vector<2048x2xi32>
    tpu.vector_store %arg2[%swap3A, %swap3A_94], %convert_element_type3A_93 {strides = array<i32>} : memref<2048x2xi32, #tpu.memory_space<vmem>>, vector<2048x2xi32>,
    %iota3A_96 = tpu.iota {dimensions = array<i32: 0>} : vector<8x8xi32>
    %iota3A_97 = tpu.iota {dimensions = array<i32: 1>} : vector<8x8xi32>
    %eq3A_98 = arith.cmpi eq, %iota3A_96, %iota3A_97 : vector<8x8xi32>
    %convert_element_type3A_99 = arith.extui %eq3A_98 : vector<8x8xi1> to vector<8x8xi32>
    %convert_element_type3A_100 = arith.sitofp %convert_element_type3A_99 : vector<8x8xi32> to vector<8x8xf32>
    %dot_general3A_101 = arith.constant dense<0.000000e+00> : vector<8x1xf32>
    %dot_general3A_102 = tpu.matmul %convert_element_type3A_100, %dot_general3A_58, %dot_general3A_101 {dimension_numbers = #tpu.dot_dimension_numbers<[1], [1], [0], [0], [0, 0, 1, 0], [], []>, transpose_lhs_hint = false} : vector<8x8xf32>, vector<1x8xf32>, vector<8x1xf32> -> vector<8x1xf32>
    %dot_general3A_103 = arith.constant dense<0.000000e+00> : vector<8x1xf32>
    %dot_general3A_104 = tpu.matmul %convert_element_type3A_100, %floor3A, %dot_general3A_103 {dimension_numbers = #tpu.dot_dimension_numbers<[1], [1], [0], [0], [0, 0, 1, 0], [], []>, transpose_lhs_hint = false} : vector<8x8xf32>, vector<1x8xf32>, vector<8x1xf32> -> vector<8x1xf32>
    %gt3A = arith.constant 0.000000e+00 : f32
    %gt3A_105 = vector.broadcast %gt3A : f32 to vector<8x1xf32>
    %gt3A_106 = arith.cmpf ogt, %dot_general3A_104, %gt3A_105 : vector<8x1xf32>
    %convert_element_type3A_107 = arith.extui %gt3A_106 : vector<8x1xi1> to vector<8x1xi32>
    %convert_element_type3A_108 = arith.sitofp %convert_element_type3A_107 : vector<8x1xi32> to vector<8x1xf32>
    %iota3A_109 = tpu.iota {dimensions = array<i32: 1>} : vector<8x128xi32>
    %convert_element_type3A_110 = arith.sitofp %iota3A_109 : vector<8x128xi32> to vector<8x128xf32>
    %ge3A = vector.broadcast %dot_general3A_102 : vector<8x1xf32> to vector<8x128xf32>
    %ge3A_111 = arith.cmpf oge, %convert_element_type3A_110, %ge3A : vector<8x128xf32>
    %convert_element_type3A_112 = arith.extui %ge3A_111 : vector<8x128xi1> to vector<8x128xi32>
    %reduce_sum3A_113 = arith.constant dense<0> : vector<128xi32>
    %reduce_sum3A_114 = vector.multi_reduction <add>, %convert_element_type3A_112, %reduce_sum3A_113 [0] : vector<8x128xi32> to vector<128xi32>
    %min3A = arith.constant 7 : i32
    %min3A_115 = vector.broadcast %min3A : i32 to vector<128xi32>
    %min3A_116 = arith.minsi %reduce_sum3A_114, %min3A_115 : vector<128xi32>
    %sub3A_117 = arith.constant 3.200000e+01 : f32
    %sub3A_118 = vector.broadcast %sub3A_117 : f32 to vector<8x128xf32>
    %sub3A_119 = arith.subf %convert_element_type3A_110, %sub3A_118 : vector<8x128xf32>
    %ge3A_120 = vector.broadcast %dot_general3A_102 : vector<8x1xf32> to vector<8x128xf32>
    %ge3A_121 = arith.cmpf oge, %sub3A_119, %ge3A_120 : vector<8x128xf32>
    %convert_element_type3A_122 = arith.extui %ge3A_121 : vector<8x128xi1> to vector<8x128xi32>
    %convert_element_type3A_123 = arith.sitofp %convert_element_type3A_122 : vector<8x128xi32> to vector<8x128xf32>
    %mul3A_124 = vector.broadcast %convert_element_type3A_108 : vector<8x1xf32> to vector<8x128xf32>
    %mul3A_125 = arith.mulf %convert_element_type3A_123, %mul3A_124 : vector<8x128xf32>
    %reduce_sum3A_126 = arith.constant dense<0.000000e+00> : vector<128xf32>
    %reduce_sum3A_127 = vector.multi_reduction <add>, %mul3A_125, %reduce_sum3A_126 [0] : vector<8x128xf32> to vector<128xf32>
    %convert_element_type3A_128 = arith.fptosi %reduce_sum3A_127 : vector<128xf32> to vector<128xi32>
    %iota3A_129 = tpu.iota {dimensions = array<i32: 1>} : vector<8x8xi32>
    %iota3A_130 = tpu.iota {dimensions = array<i32: 0>} : vector<8x8xi32>
    %lt3A_131 = arith.cmpi slt, %iota3A_129, %iota3A_130 : vector<8x8xi32>
    %convert_element_type3A_132 = arith.extui %lt3A_131 : vector<8x8xi1> to vector<8x8xi32>
    %convert_element_type3A_133 = arith.sitofp %convert_element_type3A_132 : vector<8x8xi32> to vector<8x8xf32>
    %dot_general3A_134 = arith.constant dense<0.000000e+00> : vector<8x1xf32>
    %dot_general3A_135 = tpu.matmul %convert_element_type3A_133, %convert_element_type3A_108, %dot_general3A_134 {dimension_numbers = #tpu.dot_dimension_numbers<[1], [0], [0], [1], [0, 0, 1, 1], [], []>, transpose_lhs_hint = false} : vector<8x8xf32>, vector<8x1xf32>, vector<8x1xf32> -> vector<8x1xf32>
    %iota3A_136 = tpu.iota {dimensions = array<i32: 0>} : vector<8x1xi32>
    %convert_element_type3A_137 = arith.sitofp %iota3A_136 : vector<8x1xi32> to vector<8x1xf32>
    %sub3A_138 = arith.constant 9.600000e+01 : f32
    %sub3A_139 = vector.broadcast %sub3A_138 : f32 to vector<8x128xf32>
    %sub3A_140 = arith.subf %convert_element_type3A_110, %sub3A_139 : vector<8x128xf32>
    %eq3A_141 = vector.broadcast %dot_general3A_135 : vector<8x1xf32> to vector<8x128xf32>
    %eq3A_142 = arith.cmpf oeq, %sub3A_140, %eq3A_141 : vector<8x128xf32>
    %convert_element_type3A_143 = arith.extui %eq3A_142 : vector<8x128xi1> to vector<8x128xi32>
    %convert_element_type3A_144 = arith.sitofp %convert_element_type3A_143 : vector<8x128xi32> to vector<8x128xf32>
    %mul3A_145 = vector.broadcast %convert_element_type3A_108 : vector<8x1xf32> to vector<8x128xf32>
    %mul3A_146 = arith.mulf %convert_element_type3A_144, %mul3A_145 : vector<8x128xf32>
    %mul3A_147 = vector.broadcast %convert_element_type3A_137 : vector<8x1xf32> to vector<8x128xf32>
    %mul3A_148 = arith.mulf %mul3A_146, %mul3A_147 : vector<8x128xf32>
    %reduce_sum3A_149 = arith.constant dense<0.000000e+00> : vector<128xf32>
    %reduce_sum3A_150 = vector.multi_reduction <add>, %mul3A_148, %reduce_sum3A_149 [0] : vector<8x128xf32> to vector<128xf32>
    %convert_element_type3A_151 = arith.fptosi %reduce_sum3A_150 : vector<128xf32> to vector<128xi32>
    %reduce_sum3A_152 = vector.shape_cast %floor3A : vector<1x8xf32> to vector<1x1x8xf32>
    %reduce_sum3A_153 = arith.constant dense<0.000000e+00> : vector<1xf32>
    %reduce_sum3A_154 = vector.multi_reduction <add>, %reduce_sum3A_152, %reduce_sum3A_153 [1, 2] : vector<1x1x8xf32> to vector<1xf32>
    %reduce_sum3A_155 = vector.shape_cast %reduce_sum3A_154 : vector<1xf32> to vector<1x1x1xf32>
    %reduce_sum3A_156 = vector.extract %reduce_sum3A_155[0, 0, 0] : f32 from vector<1x1x1xf32>
    %convert_element_type3A_157 = arith.fptosi %reduce_sum3A_156 : f32 to i32
    %reduce_sum3A_158 = vector.shape_cast %convert_element_type3A_108 : vector<8x1xf32> to vector<1x8x1xf32>
    %reduce_sum3A_159 = arith.constant dense<0.000000e+00> : vector<1xf32>
    %reduce_sum3A_160 = vector.multi_reduction <add>, %reduce_sum3A_158, %reduce_sum3A_159 [1, 2] : vector<1x8x1xf32> to vector<1xf32>
    %reduce_sum3A_161 = vector.shape_cast %reduce_sum3A_160 : vector<1xf32> to vector<1x1x1xf32>
    %reduce_sum3A_162 = vector.extract %reduce_sum3A_161[0, 0, 0] : f32 from vector<1x1x1xf32>
    %convert_element_type3A_163 = arith.fptosi %reduce_sum3A_162 : f32 to i32
    %iota3A_164 = tpu.iota {dimensions = array<i32: 1>} : vector<1x128xi32>
    %iota3A_165 = vector.shape_cast %iota3A_164 : vector<1x128xi32> to vector<128xi32>
    %ge3A_166 = arith.constant 32 : i32
    %ge3A_167 = vector.broadcast %ge3A_166 : i32 to vector<128xi32>
    %ge3A_168 = arith.cmpi sge, %iota3A_165, %ge3A_167 : vector<128xi32>
    %lt3A_169 = arith.constant 64 : i32
    %lt3A_170 = vector.broadcast %lt3A_169 : i32 to vector<128xi32>
    %lt3A_171 = arith.cmpi slt, %iota3A_165, %lt3A_170 : vector<128xi32>
    %and3A = arith.andi %ge3A_168, %lt3A_171 : vector<128xi1>
    %select_n3A_172 = arith.select %and3A, %convert_element_type3A_128, %min3A_116 : vector<128xi1>, vector<128xi32>
    %eq3A_173 = arith.constant 64 : i32
    %eq3A_174 = vector.broadcast %eq3A_173 : i32 to vector<128xi32>
    %eq3A_175 = arith.cmpi eq, %iota3A_165, %eq3A_174 : vector<128xi32>
    %broadcast_in_dim3A_176 = vector.broadcast %convert_element_type3A_157 : i32 to vector<128xi32>
    %select_n3A_177 = arith.select %eq3A_175, %broadcast_in_dim3A_176, %select_n3A_172 : vector<128xi1>, vector<128xi32>
    %eq3A_178 = arith.constant 65 : i32
    %eq3A_179 = vector.broadcast %eq3A_178 : i32 to vector<128xi32>
    %eq3A_180 = arith.cmpi eq, %iota3A_165, %eq3A_179 : vector<128xi32>
    %broadcast_in_dim3A_181 = vector.broadcast %convert_element_type3A_163 : i32 to vector<128xi32>
    %select_n3A_182 = arith.select %eq3A_180, %broadcast_in_dim3A_181, %select_n3A_177 : vector<128xi1>, vector<128xi32>
    %ge3A_183 = arith.constant 96 : i32
    %ge3A_184 = vector.broadcast %ge3A_183 : i32 to vector<128xi32>
    %ge3A_185 = arith.cmpi sge, %iota3A_165, %ge3A_184 : vector<128xi32>
    %select_n3A_186 = arith.select %ge3A_185, %convert_element_type3A_151, %select_n3A_182 : vector<128xi1>, vector<128xi32>
    %swap3A_187 = arith.constant 0 : index
    %swap3A_188 = vector.load %arg3[%swap3A_187] : memref<128xi32, #tpu.memory_space<vmem>>, vector<128xi32>
    tpu.vector_store %arg3[%swap3A_187], %select_n3A_186 {strides = array<i32>} : memref<128xi32, #tpu.memory_space<vmem>>, vector<128xi32>,
    return
  }
  func.func @transform_0(%arg0: i32) -> (i32, i32) {
    %c0_i32 = arith.constant 0 : i32
    %c0_i32_0 = arith.constant 0 : i32
    %c0_i32_1 = arith.constant 0 : i32
    return %c0_i32, %c0_i32_0 : i32, i32
  }
  func.func @transform_1(%arg0: i32) -> (i32, i32) {
    %c0_i32 = arith.constant 0 : i32
    %c0_i32_0 = arith.constant 0 : i32
    %c0_i32_1 = arith.constant 0 : i32
    return %c0_i32, %c0_i32_0 : i32, i32
  }
  func.func @transform_2(%arg0: i32) -> i32 {
    %c0_i32 = arith.constant 0 : i32
    %c0_i32_0 = arith.constant 0 : i32
    return %c0_i32 : i32
  }
}

module attributes {stable_mosaic.version = 14 : i64} {
  func.func @_prologue_body(%arg0: i32, %arg1: memref<256x1024xf32, #tpu.memory_space<vmem>>, %arg2: memref<256x1024xf32, #tpu.memory_space<vmem>>, %arg3: memref<1024xf32, #tpu.memory_space<vmem>>, %arg4: memref<1024xf32, #tpu.memory_space<vmem>>, %arg5: memref<8x1024xf32, #tpu.memory_space<vmem>>, %arg6: memref<256x1024xf32, #tpu.memory_space<vmem>>, %arg7: memref<256x1024xf32, #tpu.memory_space<vmem>>, %arg8: memref<256x2xf32, #tpu.memory_space<vmem>>, %arg9: memref<256x2xi32, #tpu.memory_space<vmem>>) attributes {dimension_semantics = [#tpu.dimension_semantics<arbitrary>], iteration_bounds = array<i64: 8>, scalar_prefetch = 0 : i64, scratch_operands = 0 : i64, tpu.core_type = #tpu.core_type<tc>, window_params = [{transform_indices = @transform_0, window_bounds = array<i64: 256, 1024>}, {transform_indices = @transform_1, window_bounds = array<i64: 256, 1024>}, {pipeline_mode = #tpu.pipeline_mode<synchronous>, transform_indices = @transform_2, window_bounds = array<i64: 1024>}, {pipeline_mode = #tpu.pipeline_mode<synchronous>, transform_indices = @transform_3, window_bounds = array<i64: 1024>}, {pipeline_mode = #tpu.pipeline_mode<synchronous>, transform_indices = @transform_4, window_bounds = array<i64: 8, 1024>}, {transform_indices = @transform_5, window_bounds = array<i64: 256, 1024>}, {transform_indices = @transform_6, window_bounds = array<i64: 256, 1024>}, {transform_indices = @transform_7, window_bounds = array<i64: 256, 2>}, {transform_indices = @transform_8, window_bounds = array<i64: 256, 2>}]} {
    %get3A = arith.constant 0 : index
    %get3A_0 = arith.constant 0 : index
    %get3A_1 = vector.load %arg1[%get3A, %get3A_0] : memref<256x1024xf32, #tpu.memory_space<vmem>>, vector<256x1024xf32>
    %get3A_2 = arith.constant 0 : index
    %get3A_3 = arith.constant 0 : index
    %get3A_4 = vector.load %arg2[%get3A_2, %get3A_3] : memref<256x1024xf32, #tpu.memory_space<vmem>>, vector<256x1024xf32>
    %add3A = arith.addf %get3A_1, %get3A_4 : vector<256x1024xf32>
    %swap3A = arith.constant 0 : index
    %swap3A_5 = arith.constant 0 : index
    %swap3A_6 = vector.load %arg6[%swap3A, %swap3A_5] : memref<256x1024xf32, #tpu.memory_space<vmem>>, vector<256x1024xf32>
    tpu.vector_store %arg6[%swap3A, %swap3A_5], %add3A {strides = array<i32>} : memref<256x1024xf32, #tpu.memory_space<vmem>>, vector<256x1024xf32>,
    %reduce_sum3A = arith.constant dense<0.000000e+00> : vector<256xf32>
    %reduce_sum3A_7 = vector.multi_reduction <add>, %add3A, %reduce_sum3A [1] : vector<256x1024xf32> to vector<256xf32>
    %broadcast_in_dim3A = vector.shape_cast %reduce_sum3A_7 : vector<256xf32> to vector<256x1xf32>
    %div3A = arith.constant 1.024000e+03 : f32
    %div3A_8 = vector.broadcast %div3A : f32 to vector<256x1xf32>
    %div3A_9 = arith.divf %broadcast_in_dim3A, %div3A_8 : vector<256x1xf32>
    %sub3A = vector.broadcast %div3A_9 : vector<256x1xf32> to vector<256x1024xf32>
    %sub3A_10 = arith.subf %add3A, %sub3A : vector<256x1024xf32>
    %integer_pow3A = arith.mulf %sub3A_10, %sub3A_10 : vector<256x1024xf32>
    %reduce_sum3A_11 = arith.constant dense<0.000000e+00> : vector<256xf32>
    %reduce_sum3A_12 = vector.multi_reduction <add>, %integer_pow3A, %reduce_sum3A_11 [1] : vector<256x1024xf32> to vector<256xf32>
    %broadcast_in_dim3A_13 = vector.shape_cast %reduce_sum3A_12 : vector<256xf32> to vector<256x1xf32>
    %div3A_14 = arith.constant 1.024000e+03 : f32
    %div3A_15 = vector.broadcast %div3A_14 : f32 to vector<256x1xf32>
    %div3A_16 = arith.divf %broadcast_in_dim3A_13, %div3A_15 : vector<256x1xf32>
    %sub3A_17 = vector.broadcast %div3A_9 : vector<256x1xf32> to vector<256x1024xf32>
    %sub3A_18 = arith.subf %add3A, %sub3A_17 : vector<256x1024xf32>
    %add3A_19 = arith.constant 9.99999974E-6 : f32
    %add3A_20 = vector.broadcast %add3A_19 : f32 to vector<256x1xf32>
    %add3A_21 = arith.addf %div3A_16, %add3A_20 : vector<256x1xf32>
    %rsqrt3A = math.rsqrt %add3A_21 : vector<256x1xf32>
    %mul3A = vector.broadcast %rsqrt3A : vector<256x1xf32> to vector<256x1024xf32>
    %mul3A_22 = arith.mulf %sub3A_18, %mul3A : vector<256x1024xf32>
    %get3A_23 = arith.constant 0 : index
    %get3A_24 = vector.load %arg3[%get3A_23] : memref<1024xf32, #tpu.memory_space<vmem>>, vector<1024xf32>
    %broadcast_in_dim3A_25 = vector.shape_cast %get3A_24 : vector<1024xf32> to vector<1x1024xf32>
    %mul3A_26 = vector.broadcast %broadcast_in_dim3A_25 : vector<1x1024xf32> to vector<256x1024xf32>
    %mul3A_27 = arith.mulf %mul3A_22, %mul3A_26 : vector<256x1024xf32>
    %get3A_28 = arith.constant 0 : index
    %get3A_29 = vector.load %arg4[%get3A_28] : memref<1024xf32, #tpu.memory_space<vmem>>, vector<1024xf32>
    %broadcast_in_dim3A_30 = vector.shape_cast %get3A_29 : vector<1024xf32> to vector<1x1024xf32>
    %add3A_31 = vector.broadcast %broadcast_in_dim3A_30 : vector<1x1024xf32> to vector<256x1024xf32>
    %add3A_32 = arith.addf %mul3A_27, %add3A_31 : vector<256x1024xf32>
    %swap3A_33 = arith.constant 0 : index
    %swap3A_34 = arith.constant 0 : index
    %swap3A_35 = vector.load %arg7[%swap3A_33, %swap3A_34] : memref<256x1024xf32, #tpu.memory_space<vmem>>, vector<256x1024xf32>
    tpu.vector_store %arg7[%swap3A_33, %swap3A_34], %add3A_32 {strides = array<i32>} : memref<256x1024xf32, #tpu.memory_space<vmem>>, vector<256x1024xf32>,
    %get3A_36 = arith.constant 0 : index
    %get3A_37 = arith.constant 0 : index
    %get3A_38 = vector.load %arg5[%get3A_36, %get3A_37] : memref<8x1024xf32, #tpu.memory_space<vmem>>, vector<8x1024xf32>
    %dot_general3A = arith.constant dense<0.000000e+00> : vector<256x8xf32>
    %dot_general3A_39 = tpu.matmul %add3A_32, %get3A_38, %dot_general3A {dimension_numbers = #tpu.dot_dimension_numbers<[1], [1], [0], [0], [0, 0, 1, 0], [], []>, transpose_lhs_hint = false} : vector<256x1024xf32>, vector<8x1024xf32>, vector<256x8xf32> -> vector<256x8xf32>
    %reduce_max3A = arith.constant dense<0xFF800000> : vector<256xf32>
    %reduce_max3A_40 = vector.multi_reduction <maximumf>, %dot_general3A_39, %reduce_max3A [1] : vector<256x8xf32> to vector<256xf32>
    %broadcast_in_dim3A_41 = vector.shape_cast %reduce_max3A_40 : vector<256xf32> to vector<256x1xf32>
    %sub3A_42 = vector.broadcast %broadcast_in_dim3A_41 : vector<256x1xf32> to vector<256x8xf32>
    %sub3A_43 = arith.subf %dot_general3A_39, %sub3A_42 : vector<256x8xf32>
    %exp3A = math.exp %sub3A_43 : vector<256x8xf32>
    %reduce_sum3A_44 = arith.constant dense<0.000000e+00> : vector<256xf32>
    %reduce_sum3A_45 = vector.multi_reduction <add>, %exp3A, %reduce_sum3A_44 [1] : vector<256x8xf32> to vector<256xf32>
    %broadcast_in_dim3A_46 = vector.shape_cast %reduce_sum3A_45 : vector<256xf32> to vector<256x1xf32>
    %div3A_47 = vector.broadcast %broadcast_in_dim3A_46 : vector<256x1xf32> to vector<256x8xf32>
    %div3A_48 = arith.divf %exp3A, %div3A_47 : vector<256x8xf32>
    %argmax3A = tpu.reduce_index %div3A_48 {axis = 1 : i32, kind = #tpu.reduction_kind<arg_max>} : vector<256x8xf32> -> vector<256xi32>
    %reduce_max3A_49 = arith.constant dense<0xFF800000> : vector<256xf32>
    %reduce_max3A_50 = vector.multi_reduction <maximumf>, %div3A_48, %reduce_max3A_49 [1] : vector<256x8xf32> to vector<256xf32>
    %iota3A = tpu.iota {dimensions = array<i32: 1>} : vector<256x8xi32>
    %broadcast_in_dim3A_51 = vector.shape_cast %argmax3A : vector<256xi32> to vector<256x1xi32>
    %eq3A = vector.broadcast %broadcast_in_dim3A_51 : vector<256x1xi32> to vector<256x8xi32>
    %eq3A_52 = arith.cmpi eq, %iota3A, %eq3A : vector<256x8xi32>
    %jit3A = arith.constant 0xFF800000 : f32
    %broadcast_in_dim3A_53 = vector.broadcast %jit3A : f32 to vector<256x8xf32>
    %select_n3A = arith.select %eq3A_52, %broadcast_in_dim3A_53, %div3A_48 : vector<256x8xi1>, vector<256x8xf32>
    %argmax3A_54 = tpu.reduce_index %select_n3A {axis = 1 : i32, kind = #tpu.reduction_kind<arg_max>} : vector<256x8xf32> -> vector<256xi32>
    %reduce_max3A_55 = arith.constant dense<0xFF800000> : vector<256xf32>
    %reduce_max3A_56 = vector.multi_reduction <maximumf>, %select_n3A, %reduce_max3A_55 [1] : vector<256x8xf32> to vector<256xf32>
    %add3A_57 = arith.addf %reduce_max3A_50, %reduce_max3A_56 : vector<256xf32>
    %div3A_58 = arith.divf %reduce_max3A_50, %add3A_57 : vector<256xf32>
    %broadcast_in_dim3A_59 = vector.shape_cast %div3A_58 : vector<256xf32> to vector<256x1xf32>
    %div3A_60 = arith.divf %reduce_max3A_56, %add3A_57 : vector<256xf32>
    %broadcast_in_dim3A_61 = vector.shape_cast %div3A_60 : vector<256xf32> to vector<256x1xf32>
    %concatenate3A = tpu.concatenate %broadcast_in_dim3A_59, %broadcast_in_dim3A_61 in 1 : vector<256x1xf32>, vector<256x1xf32> -> vector<256x2xf32>
    %swap3A_62 = arith.constant 0 : index
    %swap3A_63 = arith.constant 0 : index
    %swap3A_64 = vector.load %arg8[%swap3A_62, %swap3A_63] : memref<256x2xf32, #tpu.memory_space<vmem>>, vector<256x2xf32>
    tpu.vector_store %arg8[%swap3A_62, %swap3A_63], %concatenate3A {strides = array<i32>} : memref<256x2xf32, #tpu.memory_space<vmem>>, vector<256x2xf32>,
    %broadcast_in_dim3A_65 = vector.shape_cast %argmax3A : vector<256xi32> to vector<256x1xi32>
    %broadcast_in_dim3A_66 = vector.shape_cast %argmax3A_54 : vector<256xi32> to vector<256x1xi32>
    %concatenate3A_67 = tpu.concatenate %broadcast_in_dim3A_65, %broadcast_in_dim3A_66 in 1 : vector<256x1xi32>, vector<256x1xi32> -> vector<256x2xi32>
    %swap3A_68 = arith.constant 0 : index
    %swap3A_69 = arith.constant 0 : index
    %swap3A_70 = vector.load %arg9[%swap3A_68, %swap3A_69] : memref<256x2xi32, #tpu.memory_space<vmem>>, vector<256x2xi32>
    tpu.vector_store %arg9[%swap3A_68, %swap3A_69], %concatenate3A_67 {strides = array<i32>} : memref<256x2xi32, #tpu.memory_space<vmem>>, vector<256x2xi32>,
    return
  }
  func.func @transform_0(%arg0: i32) -> (i32, i32) {
    %c0_i32 = arith.constant 0 : i32
    %c0_i32_0 = arith.constant 0 : i32
    return %arg0, %c0_i32 : i32, i32
  }
  func.func @transform_1(%arg0: i32) -> (i32, i32) {
    %c0_i32 = arith.constant 0 : i32
    %c0_i32_0 = arith.constant 0 : i32
    return %arg0, %c0_i32 : i32, i32
  }
  func.func @transform_2(%arg0: i32) -> i32 {
    %c0_i32 = arith.constant 0 : i32
    %c0_i32_0 = arith.constant 0 : i32
    return %c0_i32 : i32
  }
  func.func @transform_3(%arg0: i32) -> i32 {
    %c0_i32 = arith.constant 0 : i32
    %c0_i32_0 = arith.constant 0 : i32
    return %c0_i32 : i32
  }
  func.func @transform_4(%arg0: i32) -> (i32, i32) {
    %c0_i32 = arith.constant 0 : i32
    %c0_i32_0 = arith.constant 0 : i32
    %c0_i32_1 = arith.constant 0 : i32
    return %c0_i32, %c0_i32_0 : i32, i32
  }
  func.func @transform_5(%arg0: i32) -> (i32, i32) {
    %c0_i32 = arith.constant 0 : i32
    %c0_i32_0 = arith.constant 0 : i32
    return %arg0, %c0_i32 : i32, i32
  }
  func.func @transform_6(%arg0: i32) -> (i32, i32) {
    %c0_i32 = arith.constant 0 : i32
    %c0_i32_0 = arith.constant 0 : i32
    return %arg0, %c0_i32 : i32, i32
  }
  func.func @transform_7(%arg0: i32) -> (i32, i32) {
    %c0_i32 = arith.constant 0 : i32
    %c0_i32_0 = arith.constant 0 : i32
    return %arg0, %c0_i32 : i32, i32
  }
  func.func @transform_8(%arg0: i32) -> (i32, i32) {
    %c0_i32 = arith.constant 0 : i32
    %c0_i32_0 = arith.constant 0 : i32
    return %arg0, %c0_i32 : i32, i32
  }
}

module attributes {stable_mosaic.version = 14 : i64} {
  func.func @_gmm_body(%arg0: i32, %arg1: i32, %arg2: memref<128xi32, #tpu.memory_space<smem>>, %arg3: memref<6144x1024xf32, #tpu.memory_space<vmem>>, %arg4: memref<8x8192x1024xf32, #tpu.memory_space<hbm>>, %arg5: memref<8x1024x4096xf32, #tpu.memory_space<hbm>>, %arg6: memref<256x1024xf32, #tpu.memory_space<vmem>>, %arg7: memref<6144x1024xf32, #tpu.memory_space<vmem>>, %arg8: memref<2x512x1024xf32, #tpu.memory_space<vmem>>, %arg9: memref<2x512x1024xf32, #tpu.memory_space<vmem>>, %arg10: memref<2x1024x512xf32, #tpu.memory_space<vmem>>, %arg11: memref<3x2x!tpu.dma_semaphore, #tpu.memory_space<semaphore_mem>>) attributes {dimension_semantics = [#tpu.dimension_semantics<arbitrary>, #tpu.dimension_semantics<arbitrary>], iteration_bounds = array<i64: 8, 24>, scalar_prefetch = 1 : i64, scratch_operands = 5 : i64, tpu.core_type = #tpu.core_type<tc>, window_params = [{pipeline_mode = #tpu.pipeline_mode<synchronous>, transform_indices = @transform_0, window_bounds = array<i64: 6144, 1024>}, {}, {}, {transform_indices = @transform_3, window_bounds = array<i64: 256, 1024>}]} {
    %get3A = arith.constant 64 : index
    %get3A_0 = memref.load %arg2[%get3A] : memref<128xi32, #tpu.memory_space<smem>>
    %get3A_1 = arith.constant 65 : index
    %get3A_2 = memref.load %arg2[%get3A_1] : memref<128xi32, #tpu.memory_space<smem>>
    %add3A = arith.constant 32 : i32
    %add3A_3 = arith.addi %add3A, %arg1 : i32
    %get3A_4 = arith.index_cast %add3A_3 : i32 to index
    %get3A_5 = memref.load %arg2[%get3A_4] : memref<128xi32, #tpu.memory_space<smem>>
    %sub3A = arith.constant 1 : i32
    %sub3A_6 = arith.subi %arg1, %sub3A : i32
    %max3A = arith.constant 0 : i32
    %max3A_7 = arith.maxsi %sub3A_6, %max3A : i32
    %add3A_8 = arith.constant 32 : i32
    %add3A_9 = arith.addi %add3A_8, %max3A_7 : i32
    %get3A_10 = arith.index_cast %add3A_9 : i32 to index
    %get3A_11 = memref.load %arg2[%get3A_10] : memref<128xi32, #tpu.memory_space<smem>>
    %eq3A = arith.constant 0 : i32
    %eq3A_12 = arith.cmpi eq, %arg1, %eq3A : i32
    %ne3A = arith.cmpi ne, %get3A_5, %get3A_11 : i32
    %or3A = arith.ori %eq3A_12, %ne3A : i1
    %lt3A = arith.cmpi slt, %arg1, %get3A_0 : i32
    %mul3A = arith.muli %arg0, %get3A_2 : i32
    %add3A_13 = arith.addi %mul3A, %get3A_5 : i32
    %jit3A = arith.constant 2 : i32
    %eq3A_14 = arith.constant 0 : i32
    %eq3A_15 = arith.cmpi eq, %jit3A, %eq3A_14 : i32
    %jit3A_16 = arith.constant 1 : i32
    %select_n3A = arith.select %eq3A_15, %jit3A_16, %jit3A : i32
    %rem3A = arith.remsi %add3A_13, %select_n3A : i32
    %ne3A_17 = arith.constant 0 : i32
    %ne3A_18 = arith.cmpi ne, %rem3A, %ne3A_17 : i32
    %lt3A_19 = arith.constant 0 : i32
    %lt3A_20 = arith.cmpi slt, %rem3A, %lt3A_19 : i32
    %lt3A_21 = arith.constant 0 : i32
    %lt3A_22 = arith.cmpi slt, %select_n3A, %lt3A_21 : i32
    %ne3A_23 = arith.xori %lt3A_20, %lt3A_22 : i1
    %and3A = arith.andi %ne3A_23, %ne3A_18 : i1
    %add3A_24 = arith.addi %rem3A, %select_n3A : i32
    %select_n3A_25 = arith.select %and3A, %add3A_24, %rem3A : i32
    %add3A_26 = arith.constant 1 : i32
    %add3A_27 = arith.addi %get3A_5, %add3A_26 : i32
    %ge3A = arith.cmpi sge, %add3A_27, %get3A_2 : i32
    %add3A_28 = arith.constant 1 : i32
    %add3A_29 = arith.addi %arg0, %add3A_28 : i32
    %select_n3A_30 = arith.select %ge3A, %add3A_29, %arg0 : i32
    %add3A_31 = arith.constant 1 : i32
    %add3A_32 = arith.addi %get3A_5, %add3A_31 : i32
    %jit3A_33 = arith.constant 0 : i32
    %select_n3A_34 = arith.select %ge3A, %jit3A_33, %add3A_32 : i32
    %add3A_35 = arith.constant 96 : i32
    %add3A_36 = arith.addi %add3A_35, %select_n3A_34 : i32
    %get3A_37 = arith.index_cast %add3A_36 : i32 to index
    %get3A_38 = memref.load %arg2[%get3A_37] : memref<128xi32, #tpu.memory_space<smem>>
    %and3A_39 = arith.andi %lt3A, %or3A : i1
    %convert_element_type3A = arith.extui %and3A_39 : i1 to i32
    %cond3A = arith.constant 0 : i32
    %cond3A_40 = arith.cmpi ne, %convert_element_type3A, %cond3A : i32
    scf.if %cond3A_40 {
      %eq3A_44 = arith.constant 0 : i32
      %eq3A_45 = arith.cmpi eq, %arg0, %eq3A_44 : i32
      %eq3A_46 = arith.constant 0 : i32
      %eq3A_47 = arith.cmpi eq, %arg1, %eq3A_46 : i32
      %and3A_48 = arith.andi %eq3A_45, %eq3A_47 : i1
      %convert_element_type3A_49 = arith.extui %and3A_48 : i1 to i32
      %cond3A_50 = arith.constant 0 : i32
      %cond3A_51 = arith.cmpi ne, %convert_element_type3A_49, %cond3A_50 : i32
      scf.if %cond3A_51 {
        %get3A_92 = arith.constant 0 : index
        %get3A_93 = memref.load %arg2[%get3A_92] : memref<128xi32, #tpu.memory_space<smem>>
        %dma_start3A = arith.constant 0 : i32
        %dma_start3A_94 = tpu.memref_slice %arg11[%dma_start3A, %select_n3A_25] : memref<3x2x!tpu.dma_semaphore, #tpu.memory_space<semaphore_mem>> -> memref<1x1x!tpu.dma_semaphore, #tpu.memory_space<semaphore_mem>>
        %dma_start3A_95 = tpu.memref_squeeze %dma_start3A_94 : memref<1x1x!tpu.dma_semaphore, #tpu.memory_space<semaphore_mem>> -> memref<!tpu.dma_semaphore, #tpu.memory_space<semaphore_mem>>
        %dma_start3A_96 = arith.constant 0 : i32
        %dma_start3A_97 = arith.constant 0 : i32
        %dma_start3A_98 = tpu.memref_slice %arg8[%select_n3A_25, %dma_start3A_96, %dma_start3A_97] : memref<2x512x1024xf32, #tpu.memory_space<vmem>> -> memref<1x512x1024xf32, #tpu.memory_space<vmem>>
        %dma_start3A_99 = tpu.memref_squeeze %dma_start3A_98 : memref<1x512x1024xf32, #tpu.memory_space<vmem>> -> memref<512x1024xf32, #tpu.memory_space<vmem>>
        %dma_start3A_100 = arith.constant 0 : i32
        %dma_start3A_101 = arith.constant 0 : i32
        %dma_start3A_102 = tpu.memref_slice %arg4[%get3A_93, %dma_start3A_100, %dma_start3A_101] : memref<8x8192x1024xf32, #tpu.memory_space<hbm>> -> memref<1x512x1024xf32, #tpu.memory_space<hbm>>
        %dma_start3A_103 = tpu.memref_squeeze %dma_start3A_102 : memref<1x512x1024xf32, #tpu.memory_space<hbm>> -> memref<512x1024xf32, #tpu.memory_space<hbm>>
        tpu.enqueue_dma source(%dma_start3A_103 : memref<512x1024xf32, #tpu.memory_space<hbm>>) target(%dma_start3A_99 : memref<512x1024xf32, #tpu.memory_space<vmem>>) target_semaphore(%dma_start3A_95 : memref<!tpu.dma_semaphore, #tpu.memory_space<semaphore_mem>>)
        %dma_start3A_104 = arith.constant 1 : i32
        %dma_start3A_105 = tpu.memref_slice %arg11[%dma_start3A_104, %select_n3A_25] : memref<3x2x!tpu.dma_semaphore, #tpu.memory_space<semaphore_mem>> -> memref<1x1x!tpu.dma_semaphore, #tpu.memory_space<semaphore_mem>>
        %dma_start3A_106 = tpu.memref_squeeze %dma_start3A_105 : memref<1x1x!tpu.dma_semaphore, #tpu.memory_space<semaphore_mem>> -> memref<!tpu.dma_semaphore, #tpu.memory_space<semaphore_mem>>
        %dma_start3A_107 = arith.constant 0 : i32
        %dma_start3A_108 = arith.constant 0 : i32
        %dma_start3A_109 = tpu.memref_slice %arg9[%select_n3A_25, %dma_start3A_107, %dma_start3A_108] : memref<2x512x1024xf32, #tpu.memory_space<vmem>> -> memref<1x512x1024xf32, #tpu.memory_space<vmem>>
        %dma_start3A_110 = tpu.memref_squeeze %dma_start3A_109 : memref<1x512x1024xf32, #tpu.memory_space<vmem>> -> memref<512x1024xf32, #tpu.memory_space<vmem>>
        %dma_start3A_111 = arith.constant 4096 : i32
        %dma_start3A_112 = arith.constant 0 : i32
        %dma_start3A_113 = tpu.memref_slice %arg4[%get3A_93, %dma_start3A_111, %dma_start3A_112] : memref<8x8192x1024xf32, #tpu.memory_space<hbm>> -> memref<1x512x1024xf32, #tpu.memory_space<hbm>>
        %dma_start3A_114 = tpu.memref_squeeze %dma_start3A_113 : memref<1x512x1024xf32, #tpu.memory_space<hbm>> -> memref<512x1024xf32, #tpu.memory_space<hbm>>
        tpu.enqueue_dma source(%dma_start3A_114 : memref<512x1024xf32, #tpu.memory_space<hbm>>) target(%dma_start3A_110 : memref<512x1024xf32, #tpu.memory_space<vmem>>) target_semaphore(%dma_start3A_106 : memref<!tpu.dma_semaphore, #tpu.memory_space<semaphore_mem>>)
        %dma_start3A_115 = arith.constant 2 : i32
        %dma_start3A_116 = tpu.memref_slice %arg11[%dma_start3A_115, %select_n3A_25] : memref<3x2x!tpu.dma_semaphore, #tpu.memory_space<semaphore_mem>> -> memref<1x1x!tpu.dma_semaphore, #tpu.memory_space<semaphore_mem>>
        %dma_start3A_117 = tpu.memref_squeeze %dma_start3A_116 : memref<1x1x!tpu.dma_semaphore, #tpu.memory_space<semaphore_mem>> -> memref<!tpu.dma_semaphore, #tpu.memory_space<semaphore_mem>>
        %dma_start3A_118 = arith.constant 0 : i32
        %dma_start3A_119 = arith.constant 0 : i32
        %dma_start3A_120 = tpu.memref_slice %arg10[%select_n3A_25, %dma_start3A_118, %dma_start3A_119] : memref<2x1024x512xf32, #tpu.memory_space<vmem>> -> memref<1x1024x512xf32, #tpu.memory_space<vmem>>
        %dma_start3A_121 = tpu.memref_squeeze %dma_start3A_120 : memref<1x1024x512xf32, #tpu.memory_space<vmem>> -> memref<1024x512xf32, #tpu.memory_space<vmem>>
        %dma_start3A_122 = arith.constant 0 : i32
        %dma_start3A_123 = arith.constant 0 : i32
        %dma_start3A_124 = tpu.memref_slice %arg5[%get3A_93, %dma_start3A_122, %dma_start3A_123] : memref<8x1024x4096xf32, #tpu.memory_space<hbm>> -> memref<1x1024x512xf32, #tpu.memory_space<hbm>>
        %dma_start3A_125 = tpu.memref_squeeze %dma_start3A_124 : memref<1x1024x512xf32, #tpu.memory_space<hbm>> -> memref<1024x512xf32, #tpu.memory_space<hbm>>
        tpu.enqueue_dma source(%dma_start3A_125 : memref<1024x512xf32, #tpu.memory_space<hbm>>) target(%dma_start3A_121 : memref<1024x512xf32, #tpu.memory_space<vmem>>) target_semaphore(%dma_start3A_117 : memref<!tpu.dma_semaphore, #tpu.memory_space<semaphore_mem>>)
      } else {
      }
      %dma_wait3A = arith.constant 0 : i32
      %dma_wait3A_52 = arith.constant 0 : i32
      %dma_wait3A_53 = tpu.memref_slice %arg11[%dma_wait3A_52, %select_n3A_25] : memref<3x2x!tpu.dma_semaphore, #tpu.memory_space<semaphore_mem>> -> memref<1x1x!tpu.dma_semaphore, #tpu.memory_space<semaphore_mem>>
      %dma_wait3A_54 = tpu.memref_squeeze %dma_wait3A_53 : memref<1x1x!tpu.dma_semaphore, #tpu.memory_space<semaphore_mem>> -> memref<!tpu.dma_semaphore, #tpu.memory_space<semaphore_mem>>
      %dma_wait3A_55 = arith.constant 0 : i32
      %dma_wait3A_56 = arith.constant 0 : i32
      %dma_wait3A_57 = tpu.memref_slice %arg8[%select_n3A_25, %dma_wait3A_55, %dma_wait3A_56] : memref<2x512x1024xf32, #tpu.memory_space<vmem>> -> memref<1x512x1024xf32, #tpu.memory_space<vmem>>
      %dma_wait3A_58 = tpu.memref_squeeze %dma_wait3A_57 : memref<1x512x1024xf32, #tpu.memory_space<vmem>> -> memref<512x1024xf32, #tpu.memory_space<vmem>>
      %dma_wait3A_59 = arith.constant 0 : i32
      %dma_wait3A_60 = arith.constant 0 : i32
      %dma_wait3A_61 = tpu.memref_slice %arg4[%dma_wait3A, %dma_wait3A_59, %dma_wait3A_60] : memref<8x8192x1024xf32, #tpu.memory_space<hbm>> -> memref<1x512x1024xf32, #tpu.memory_space<hbm>>
      %dma_wait3A_62 = tpu.memref_squeeze %dma_wait3A_61 : memref<1x512x1024xf32, #tpu.memory_space<hbm>> -> memref<512x1024xf32, #tpu.memory_space<hbm>>
      tpu.wait_dma2 semaphore(%dma_wait3A_54 : memref<!tpu.dma_semaphore, #tpu.memory_space<semaphore_mem>>) src(%dma_wait3A_62 : memref<512x1024xf32, #tpu.memory_space<hbm>>) dst(%dma_wait3A_58 : memref<512x1024xf32, #tpu.memory_space<vmem>>)
      %dma_wait3A_63 = arith.constant 0 : i32
      %dma_wait3A_64 = arith.constant 1 : i32
      %dma_wait3A_65 = tpu.memref_slice %arg11[%dma_wait3A_64, %select_n3A_25] : memref<3x2x!tpu.dma_semaphore, #tpu.memory_space<semaphore_mem>> -> memref<1x1x!tpu.dma_semaphore, #tpu.memory_space<semaphore_mem>>
      %dma_wait3A_66 = tpu.memref_squeeze %dma_wait3A_65 : memref<1x1x!tpu.dma_semaphore, #tpu.memory_space<semaphore_mem>> -> memref<!tpu.dma_semaphore, #tpu.memory_space<semaphore_mem>>
      %dma_wait3A_67 = arith.constant 0 : i32
      %dma_wait3A_68 = arith.constant 0 : i32
      %dma_wait3A_69 = tpu.memref_slice %arg9[%select_n3A_25, %dma_wait3A_67, %dma_wait3A_68] : memref<2x512x1024xf32, #tpu.memory_space<vmem>> -> memref<1x512x1024xf32, #tpu.memory_space<vmem>>
      %dma_wait3A_70 = tpu.memref_squeeze %dma_wait3A_69 : memref<1x512x1024xf32, #tpu.memory_space<vmem>> -> memref<512x1024xf32, #tpu.memory_space<vmem>>
      %dma_wait3A_71 = arith.constant 0 : i32
      %dma_wait3A_72 = arith.constant 0 : i32
      %dma_wait3A_73 = tpu.memref_slice %arg4[%dma_wait3A_63, %dma_wait3A_71, %dma_wait3A_72] : memref<8x8192x1024xf32, #tpu.memory_space<hbm>> -> memref<1x512x1024xf32, #tpu.memory_space<hbm>>
      %dma_wait3A_74 = tpu.memref_squeeze %dma_wait3A_73 : memref<1x512x1024xf32, #tpu.memory_space<hbm>> -> memref<512x1024xf32, #tpu.memory_space<hbm>>
      tpu.wait_dma2 semaphore(%dma_wait3A_66 : memref<!tpu.dma_semaphore, #tpu.memory_space<semaphore_mem>>) src(%dma_wait3A_74 : memref<512x1024xf32, #tpu.memory_space<hbm>>) dst(%dma_wait3A_70 : memref<512x1024xf32, #tpu.memory_space<vmem>>)
      %dma_wait3A_75 = arith.constant 0 : i32
      %dma_wait3A_76 = arith.constant 2 : i32
      %dma_wait3A_77 = tpu.memref_slice %arg11[%dma_wait3A_76, %select_n3A_25] : memref<3x2x!tpu.dma_semaphore, #tpu.memory_space<semaphore_mem>> -> memref<1x1x!tpu.dma_semaphore, #tpu.memory_space<semaphore_mem>>
      %dma_wait3A_78 = tpu.memref_squeeze %dma_wait3A_77 : memref<1x1x!tpu.dma_semaphore, #tpu.memory_space<semaphore_mem>> -> memref<!tpu.dma_semaphore, #tpu.memory_space<semaphore_mem>>
      %dma_wait3A_79 = arith.constant 0 : i32
      %dma_wait3A_80 = arith.constant 0 : i32
      %dma_wait3A_81 = tpu.memref_slice %arg10[%select_n3A_25, %dma_wait3A_79, %dma_wait3A_80] : memref<2x1024x512xf32, #tpu.memory_space<vmem>> -> memref<1x1024x512xf32, #tpu.memory_space<vmem>>
      %dma_wait3A_82 = tpu.memref_squeeze %dma_wait3A_81 : memref<1x1024x512xf32, #tpu.memory_space<vmem>> -> memref<1024x512xf32, #tpu.memory_space<vmem>>
      %dma_wait3A_83 = arith.constant 0 : i32
      %dma_wait3A_84 = arith.constant 0 : i32
      %dma_wait3A_85 = tpu.memref_slice %arg5[%dma_wait3A_75, %dma_wait3A_83, %dma_wait3A_84] : memref<8x1024x4096xf32, #tpu.memory_space<hbm>> -> memref<1x1024x512xf32, #tpu.memory_space<hbm>>
      %dma_wait3A_86 = tpu.memref_squeeze %dma_wait3A_85 : memref<1x1024x512xf32, #tpu.memory_space<hbm>> -> memref<1024x512xf32, #tpu.memory_space<hbm>>
      tpu.wait_dma2 semaphore(%dma_wait3A_78 : memref<!tpu.dma_semaphore, #tpu.memory_space<semaphore_mem>>) src(%dma_wait3A_86 : memref<1024x512xf32, #tpu.memory_space<hbm>>) dst(%dma_wait3A_82 : memref<1024x512xf32, #tpu.memory_space<vmem>>)
      %lt3A_87 = arith.constant 8 : i32
      %lt3A_88 = arith.cmpi slt, %select_n3A_30, %lt3A_87 : i32
      %convert_element_type3A_89 = arith.extui %lt3A_88 : i1 to i32
      %cond3A_90 = arith.constant 0 : i32
      %cond3A_91 = arith.cmpi ne, %convert_element_type3A_89, %cond3A_90 : i32
      scf.if %cond3A_91 {
        %sub3A_92 = arith.constant 1 : i32
        %sub3A_93 = arith.subi %sub3A_92, %select_n3A_25 : i32
        %mul3A_94 = arith.constant 512 : i32
        %mul3A_95 = arith.muli %select_n3A_30, %mul3A_94 : i32
        %dma_start3A = arith.constant 0 : i32
        %dma_start3A_96 = tpu.memref_slice %arg11[%dma_start3A, %sub3A_93] : memref<3x2x!tpu.dma_semaphore, #tpu.memory_space<semaphore_mem>> -> memref<1x1x!tpu.dma_semaphore, #tpu.memory_space<semaphore_mem>>
        %dma_start3A_97 = tpu.memref_squeeze %dma_start3A_96 : memref<1x1x!tpu.dma_semaphore, #tpu.memory_space<semaphore_mem>> -> memref<!tpu.dma_semaphore, #tpu.memory_space<semaphore_mem>>
        %dma_start3A_98 = arith.constant 0 : i32
        %dma_start3A_99 = arith.constant 0 : i32
        %dma_start3A_100 = tpu.memref_slice %arg8[%sub3A_93, %dma_start3A_98, %dma_start3A_99] : memref<2x512x1024xf32, #tpu.memory_space<vmem>> -> memref<1x512x1024xf32, #tpu.memory_space<vmem>>
        %dma_start3A_101 = tpu.memref_squeeze %dma_start3A_100 : memref<1x512x1024xf32, #tpu.memory_space<vmem>> -> memref<512x1024xf32, #tpu.memory_space<vmem>>
        %dma_start3A_102 = arith.constant 0 : i32
        %dma_start3A_103 = tpu.memref_slice %arg4[%get3A_38, %mul3A_95, %dma_start3A_102] : memref<8x8192x1024xf32, #tpu.memory_space<hbm>> -> memref<1x512x1024xf32, #tpu.memory_space<hbm>>
        %dma_start3A_104 = tpu.memref_squeeze %dma_start3A_103 : memref<1x512x1024xf32, #tpu.memory_space<hbm>> -> memref<512x1024xf32, #tpu.memory_space<hbm>>
        tpu.enqueue_dma source(%dma_start3A_104 : memref<512x1024xf32, #tpu.memory_space<hbm>>) target(%dma_start3A_101 : memref<512x1024xf32, #tpu.memory_space<vmem>>) target_semaphore(%dma_start3A_97 : memref<!tpu.dma_semaphore, #tpu.memory_space<semaphore_mem>>)
        %mul3A_105 = arith.constant 512 : i32
        %mul3A_106 = arith.muli %select_n3A_30, %mul3A_105 : i32
        %add3A_107 = arith.constant 4096 : i32
        %add3A_108 = arith.addi %add3A_107, %mul3A_106 : i32
        %dma_start3A_109 = arith.constant 1 : i32
        %dma_start3A_110 = tpu.memref_slice %arg11[%dma_start3A_109, %sub3A_93] : memref<3x2x!tpu.dma_semaphore, #tpu.memory_space<semaphore_mem>> -> memref<1x1x!tpu.dma_semaphore, #tpu.memory_space<semaphore_mem>>
        %dma_start3A_111 = tpu.memref_squeeze %dma_start3A_110 : memref<1x1x!tpu.dma_semaphore, #tpu.memory_space<semaphore_mem>> -> memref<!tpu.dma_semaphore, #tpu.memory_space<semaphore_mem>>
        %dma_start3A_112 = arith.constant 0 : i32
        %dma_start3A_113 = arith.constant 0 : i32
        %dma_start3A_114 = tpu.memref_slice %arg9[%sub3A_93, %dma_start3A_112, %dma_start3A_113] : memref<2x512x1024xf32, #tpu.memory_space<vmem>> -> memref<1x512x1024xf32, #tpu.memory_space<vmem>>
        %dma_start3A_115 = tpu.memref_squeeze %dma_start3A_114 : memref<1x512x1024xf32, #tpu.memory_space<vmem>> -> memref<512x1024xf32, #tpu.memory_space<vmem>>
        %dma_start3A_116 = arith.constant 0 : i32
        %dma_start3A_117 = tpu.memref_slice %arg4[%get3A_38, %add3A_108, %dma_start3A_116] : memref<8x8192x1024xf32, #tpu.memory_space<hbm>> -> memref<1x512x1024xf32, #tpu.memory_space<hbm>>
        %dma_start3A_118 = tpu.memref_squeeze %dma_start3A_117 : memref<1x512x1024xf32, #tpu.memory_space<hbm>> -> memref<512x1024xf32, #tpu.memory_space<hbm>>
        tpu.enqueue_dma source(%dma_start3A_118 : memref<512x1024xf32, #tpu.memory_space<hbm>>) target(%dma_start3A_115 : memref<512x1024xf32, #tpu.memory_space<vmem>>) target_semaphore(%dma_start3A_111 : memref<!tpu.dma_semaphore, #tpu.memory_space<semaphore_mem>>)
        %mul3A_119 = arith.constant 512 : i32
        %mul3A_120 = arith.muli %select_n3A_30, %mul3A_119 : i32
        %dma_start3A_121 = arith.constant 2 : i32
        %dma_start3A_122 = tpu.memref_slice %arg11[%dma_start3A_121, %sub3A_93] : memref<3x2x!tpu.dma_semaphore, #tpu.memory_space<semaphore_mem>> -> memref<1x1x!tpu.dma_semaphore, #tpu.memory_space<semaphore_mem>>
        %dma_start3A_123 = tpu.memref_squeeze %dma_start3A_122 : memref<1x1x!tpu.dma_semaphore, #tpu.memory_space<semaphore_mem>> -> memref<!tpu.dma_semaphore, #tpu.memory_space<semaphore_mem>>
        %dma_start3A_124 = arith.constant 0 : i32
        %dma_start3A_125 = arith.constant 0 : i32
        %dma_start3A_126 = tpu.memref_slice %arg10[%sub3A_93, %dma_start3A_124, %dma_start3A_125] : memref<2x1024x512xf32, #tpu.memory_space<vmem>> -> memref<1x1024x512xf32, #tpu.memory_space<vmem>>
        %dma_start3A_127 = tpu.memref_squeeze %dma_start3A_126 : memref<1x1024x512xf32, #tpu.memory_space<vmem>> -> memref<1024x512xf32, #tpu.memory_space<vmem>>
        %dma_start3A_128 = arith.constant 0 : i32
        %dma_start3A_129 = tpu.memref_slice %arg5[%get3A_38, %dma_start3A_128, %mul3A_120] : memref<8x1024x4096xf32, #tpu.memory_space<hbm>> -> memref<1x1024x512xf32, #tpu.memory_space<hbm>>
        %dma_start3A_130 = tpu.memref_squeeze %dma_start3A_129 : memref<1x1024x512xf32, #tpu.memory_space<hbm>> -> memref<1024x512xf32, #tpu.memory_space<hbm>>
        tpu.enqueue_dma source(%dma_start3A_130 : memref<1024x512xf32, #tpu.memory_space<hbm>>) target(%dma_start3A_127 : memref<1024x512xf32, #tpu.memory_space<vmem>>) target_semaphore(%dma_start3A_123 : memref<!tpu.dma_semaphore, #tpu.memory_space<semaphore_mem>>)
      } else {
      }
    } else {
    }
    %convert_element_type3A_41 = arith.extui %lt3A : i1 to i32
    %cond3A_42 = arith.constant 0 : i32
    %cond3A_43 = arith.cmpi ne, %convert_element_type3A_41, %cond3A_42 : i32
    scf.if %cond3A_43 {
      %mul3A_44 = arith.constant 256 : i32
      %mul3A_45 = arith.muli %arg1, %mul3A_44 : i32
      %multiple_of3A = tpu.assume_multiple %mul3A_45, 256 : i32
      %get3A_46 = arith.index_cast %multiple_of3A : i32 to index
      %get3A_47 = arith.constant 0 : index
      %get3A_48 = vector.load %arg3[%get3A_46, %get3A_47] : memref<6144x1024xf32, #tpu.memory_space<vmem>>, vector<256x1024xf32>
      %get3A_49 = arith.index_cast %select_n3A_25 : i32 to index
      %get3A_50 = arith.constant 0 : index
      %get3A_51 = arith.constant 0 : index
      %get3A_52 = vector.load %arg8[%get3A_49, %get3A_50, %get3A_51] : memref<2x512x1024xf32, #tpu.memory_space<vmem>>, vector<1x512x1024xf32>
      %get3A_53 = vector.shape_cast %get3A_52 : vector<1x512x1024xf32> to vector<512x1024xf32>
      %dot_general3A = arith.constant dense<0.000000e+00> : vector<256x512xf32>
      %dot_general3A_54 = tpu.matmul %get3A_48, %get3A_53, %dot_general3A {dimension_numbers = #tpu.dot_dimension_numbers<[1], [1], [0], [0], [0, 0, 1, 0], [], []>, transpose_lhs_hint = false} : vector<256x1024xf32>, vector<512x1024xf32>, vector<256x512xf32> -> vector<256x512xf32>
      %get3A_55 = arith.index_cast %select_n3A_25 : i32 to index
      %get3A_56 = arith.constant 0 : index
      %get3A_57 = arith.constant 0 : index
      %get3A_58 = vector.load %arg9[%get3A_55, %get3A_56, %get3A_57] : memref<2x512x1024xf32, #tpu.memory_space<vmem>>, vector<1x512x1024xf32>
      %get3A_59 = vector.shape_cast %get3A_58 : vector<1x512x1024xf32> to vector<512x1024xf32>
      %dot_general3A_60 = arith.constant dense<0.000000e+00> : vector<256x512xf32>
      %dot_general3A_61 = tpu.matmul %get3A_48, %get3A_59, %dot_general3A_60 {dimension_numbers = #tpu.dot_dimension_numbers<[1], [1], [0], [0], [0, 0, 1, 0], [], []>, transpose_lhs_hint = false} : vector<256x1024xf32>, vector<512x1024xf32>, vector<256x512xf32> -> vector<256x512xf32>
      %logistic3A = arith.negf %dot_general3A_54 : vector<256x512xf32>
      %logistic3A_62 = math.exp %logistic3A : vector<256x512xf32>
      %logistic3A_63 = arith.constant 1.000000e+00 : f32
      %logistic3A_64 = vector.broadcast %logistic3A_63 : f32 to vector<256x512xf32>
      %logistic3A_65 = arith.addf %logistic3A_64, %logistic3A_62 : vector<256x512xf32>
      %logistic3A_66 = arith.divf %logistic3A_64, %logistic3A_65 : vector<256x512xf32>
      %mul3A_67 = arith.mulf %dot_general3A_54, %logistic3A_66 : vector<256x512xf32>
      %mul3A_68 = arith.mulf %mul3A_67, %dot_general3A_61 : vector<256x512xf32>
      %get3A_69 = arith.index_cast %select_n3A_25 : i32 to index
      %get3A_70 = arith.constant 0 : index
      %get3A_71 = arith.constant 0 : index
      %get3A_72 = vector.load %arg10[%get3A_69, %get3A_70, %get3A_71] : memref<2x1024x512xf32, #tpu.memory_space<vmem>>, vector<1x1024x512xf32>
      %get3A_73 = vector.shape_cast %get3A_72 : vector<1x1024x512xf32> to vector<1024x512xf32>
      %dot_general3A_74 = arith.constant dense<0.000000e+00> : vector<256x1024xf32>
      %dot_general3A_75 = tpu.matmul %mul3A_68, %get3A_73, %dot_general3A_74 {dimension_numbers = #tpu.dot_dimension_numbers<[1], [1], [0], [0], [0, 0, 1, 0], [], []>, transpose_lhs_hint = false} : vector<256x512xf32>, vector<1024x512xf32>, vector<256x1024xf32> -> vector<256x1024xf32>
      %eq3A_76 = arith.constant 0 : i32
      %eq3A_77 = arith.cmpi eq, %arg0, %eq3A_76 : i32
      %convert_element_type3A_78 = arith.extui %eq3A_77 : i1 to i32
      %cond3A_79 = arith.constant 0 : i32
      %cond3A_80 = arith.cmpi ne, %convert_element_type3A_78, %cond3A_79 : i32
      scf.if %cond3A_80 {
        %swap3A = arith.index_cast %multiple_of3A : i32 to index
        %swap3A_93 = arith.constant 0 : index
        %swap3A_94 = vector.load %arg7[%swap3A, %swap3A_93] : memref<6144x1024xf32, #tpu.memory_space<vmem>>, vector<256x1024xf32>
        tpu.vector_store %arg7[%swap3A, %swap3A_93], %dot_general3A_75 {strides = array<i32>} : memref<6144x1024xf32, #tpu.memory_space<vmem>>, vector<256x1024xf32>,
      } else {
      }
      %gt3A = arith.constant 0 : i32
      %gt3A_81 = arith.cmpi sgt, %arg0, %gt3A : i32
      %lt3A_82 = arith.constant 7 : i32
      %lt3A_83 = arith.cmpi slt, %arg0, %lt3A_82 : i32
      %and3A_84 = arith.andi %gt3A_81, %lt3A_83 : i1
      %convert_element_type3A_85 = arith.extui %and3A_84 : i1 to i32
      %cond3A_86 = arith.constant 0 : i32
      %cond3A_87 = arith.cmpi ne, %convert_element_type3A_85, %cond3A_86 : i32
      scf.if %cond3A_87 {
        %get3A_93 = arith.index_cast %multiple_of3A : i32 to index
        %get3A_94 = arith.constant 0 : index
        %get3A_95 = vector.load %arg7[%get3A_93, %get3A_94] : memref<6144x1024xf32, #tpu.memory_space<vmem>>, vector<256x1024xf32>
        %add3A_96 = arith.addf %get3A_95, %dot_general3A_75 : vector<256x1024xf32>
        %swap3A = arith.index_cast %multiple_of3A : i32 to index
        %swap3A_97 = arith.constant 0 : index
        %swap3A_98 = vector.load %arg7[%swap3A, %swap3A_97] : memref<6144x1024xf32, #tpu.memory_space<vmem>>, vector<256x1024xf32>
        tpu.vector_store %arg7[%swap3A, %swap3A_97], %add3A_96 {strides = array<i32>} : memref<6144x1024xf32, #tpu.memory_space<vmem>>, vector<256x1024xf32>,
      } else {
      }
      %eq3A_88 = arith.constant 7 : i32
      %eq3A_89 = arith.cmpi eq, %arg0, %eq3A_88 : i32
      %convert_element_type3A_90 = arith.extui %eq3A_89 : i1 to i32
      %cond3A_91 = arith.constant 0 : i32
      %cond3A_92 = arith.cmpi ne, %convert_element_type3A_90, %cond3A_91 : i32
      scf.if %cond3A_92 {
        %get3A_93 = arith.index_cast %multiple_of3A : i32 to index
        %get3A_94 = arith.constant 0 : index
        %get3A_95 = vector.load %arg7[%get3A_93, %get3A_94] : memref<6144x1024xf32, #tpu.memory_space<vmem>>, vector<256x1024xf32>
        %add3A_96 = arith.addf %get3A_95, %dot_general3A_75 : vector<256x1024xf32>
        %swap3A = arith.constant 0 : index
        %swap3A_97 = arith.constant 0 : index
        %swap3A_98 = vector.load %arg6[%swap3A, %swap3A_97] : memref<256x1024xf32, #tpu.memory_space<vmem>>, vector<256x1024xf32>
        tpu.vector_store %arg6[%swap3A, %swap3A_97], %add3A_96 {strides = array<i32>} : memref<256x1024xf32, #tpu.memory_space<vmem>>, vector<256x1024xf32>,
      } else {
      }
    } else {
    }
    return
  }
  func.func @transform_0(%arg0: i32, %arg1: i32, %arg2: memref<128xi32, #tpu.memory_space<smem>>) -> (i32, i32) {
    %c0_i32 = arith.constant 0 : i32
    %c0_i32_0 = arith.constant 0 : i32
    %c0_i32_1 = arith.constant 0 : i32
    return %c0_i32, %c0_i32_0 : i32, i32
  }
  func.func @transform_3(%arg0: i32, %arg1: i32, %arg2: memref<128xi32, #tpu.memory_space<smem>>) -> (i32, i32) {
    %eq3A = arith.constant 7 : i32
    %eq3A_0 = arith.cmpi eq, %arg0, %eq3A : i32
    %jit3A = arith.constant 0 : i32
    %select_n3A = arith.select %eq3A_0, %arg1, %jit3A : i32
    %c0_i32 = arith.constant 0 : i32
    %c0_i32_1 = arith.constant 0 : i32
    return %select_n3A, %c0_i32 : i32, i32
  }
}

module attributes {stable_mosaic.version = 14 : i64} {
  func.func @_combine_body(%arg0: i32, %arg1: memref<256x1024xf32, #tpu.memory_space<vmem>>, %arg2: memref<256x2x1024xf32, #tpu.memory_space<vmem>>, %arg3: memref<256x2xf32, #tpu.memory_space<vmem>>, %arg4: memref<256x1024xf32, #tpu.memory_space<vmem>>) attributes {dimension_semantics = [#tpu.dimension_semantics<arbitrary>], iteration_bounds = array<i64: 8>, scalar_prefetch = 0 : i64, scratch_operands = 0 : i64, tpu.core_type = #tpu.core_type<tc>, window_params = [{transform_indices = @transform_0, window_bounds = array<i64: 256, 1024>}, {transform_indices = @transform_1, window_bounds = array<i64: 256, 2, 1024>}, {transform_indices = @transform_2, window_bounds = array<i64: 256, 2>}, {transform_indices = @transform_3, window_bounds = array<i64: 256, 1024>}]} {
    %get3A = arith.constant 0 : index
    %get3A_0 = arith.constant 0 : index
    %get3A_1 = vector.load %arg3[%get3A, %get3A_0] : memref<256x2xf32, #tpu.memory_space<vmem>>, vector<256x2xf32>
    %get3A_2 = arith.constant 0 : index
    %get3A_3 = arith.constant 0 : index
    %get3A_4 = vector.load %arg1[%get3A_2, %get3A_3] : memref<256x1024xf32, #tpu.memory_space<vmem>>, vector<256x1024xf32>
    %slice3A = vector.extract_strided_slice %get3A_1 {offsets = [0, 0], sizes = [256, 1], strides = [1, 1]} : vector<256x2xf32> to vector<256x1xf32>
    %get3A_5 = arith.constant 0 : index
    %get3A_6 = arith.constant 0 : index
    %get3A_7 = arith.constant 0 : index
    %get3A_8 = vector.load %arg2[%get3A_5, %get3A_6, %get3A_7] : memref<256x2x1024xf32, #tpu.memory_space<vmem>>, vector<256x1x1024xf32>
    %get3A_9 = vector.shape_cast %get3A_8 : vector<256x1x1024xf32> to vector<256x1024xf32>
    %mul3A = vector.broadcast %slice3A : vector<256x1xf32> to vector<256x1024xf32>
    %mul3A_10 = arith.mulf %mul3A, %get3A_9 : vector<256x1024xf32>
    %add3A = arith.addf %get3A_4, %mul3A_10 : vector<256x1024xf32>
    %slice3A_11 = vector.extract_strided_slice %get3A_1 {offsets = [0, 1], sizes = [256, 1], strides = [1, 1]} : vector<256x2xf32> to vector<256x1xf32>
    %get3A_12 = arith.constant 0 : index
    %get3A_13 = arith.constant 1 : index
    %get3A_14 = arith.constant 0 : index
    %get3A_15 = vector.load %arg2[%get3A_12, %get3A_13, %get3A_14] : memref<256x2x1024xf32, #tpu.memory_space<vmem>>, vector<256x1x1024xf32>
    %get3A_16 = vector.shape_cast %get3A_15 : vector<256x1x1024xf32> to vector<256x1024xf32>
    %mul3A_17 = vector.broadcast %slice3A_11 : vector<256x1xf32> to vector<256x1024xf32>
    %mul3A_18 = arith.mulf %mul3A_17, %get3A_16 : vector<256x1024xf32>
    %add3A_19 = arith.addf %add3A, %mul3A_18 : vector<256x1024xf32>
    %swap3A = arith.constant 0 : index
    %swap3A_20 = arith.constant 0 : index
    %swap3A_21 = vector.load %arg4[%swap3A, %swap3A_20] : memref<256x1024xf32, #tpu.memory_space<vmem>>, vector<256x1024xf32>
    tpu.vector_store %arg4[%swap3A, %swap3A_20], %add3A_19 {strides = array<i32>} : memref<256x1024xf32, #tpu.memory_space<vmem>>, vector<256x1024xf32>,
    return
  }
  func.func @transform_0(%arg0: i32) -> (i32, i32) {
    %c0_i32 = arith.constant 0 : i32
    %c0_i32_0 = arith.constant 0 : i32
    return %arg0, %c0_i32 : i32, i32
  }
  func.func @transform_1(%arg0: i32) -> (i32, i32, i32) {
    %c0_i32 = arith.constant 0 : i32
    %c0_i32_0 = arith.constant 0 : i32
    %c0_i32_1 = arith.constant 0 : i32
    return %arg0, %c0_i32, %c0_i32_0 : i32, i32, i32
  }
  func.func @transform_2(%arg0: i32) -> (i32, i32) {
    %c0_i32 = arith.constant 0 : i32
    %c0_i32_0 = arith.constant 0 : i32
    return %arg0, %c0_i32 : i32, i32
  }
  func.func @transform_3(%arg0: i32) -> (i32, i32) {
    %c0_i32 = arith.constant 0 : i32
    %c0_i32_0 = arith.constant 0 : i32
    return %arg0, %c0_i32 : i32, i32
  }
}

</mosaic_0001>

<sc_bundles>
// kernel: kernel.11.cloned.1.call-start
scs
__scs_entry_jumppad:
0x0: {  	(pc) =	sbr.rel $0x88, $3  }
0x1: {  	(tag) =	ssettag $0x0;
	lr =	simm.s32 $0x1  }
0x2: {  	[smem:$0x3F9A] =	sst lr;
	_ =	strace $0xD0000000  }
0x3: {  	_ = 	snop  }
0x4: {  	_ = 	snop  }
0x5: {  	_ = 	snop  }
0x6: {  	_ = 	snop  }
0x7: {  	_ = 	snop  }
__scs_overlays_trampoline_lowered:
0x8: {  	[smem:$0x3FA9] =	sst s0  }
0x9: {  	[smem:$0x3FAA] =	sst s1  }
0xa: {  	[smem:$0x3FAB] =	sst s2  }
0xb: {  	[smem:$0x3FAC] =	sst s3  }
0xc: {  	[smem:$0x3FAD] =	sst s4  }
0xd: {  	[smem:$0x3FAE] =	sst s5  }
0xe: {  	[smem:$0x3FAF] =	sst s6  }
0xf: {  	[smem:$0x3FB0] =	sst s7  }
0x10: {  	[smem:$0x3FB1] =	sst s8  }
0x11: {  	[smem:$0x3FB2] =	sst s9;
	s0 =	simm.s32 @!p0 $0x0  }
0x12: {  	s1 =	sld [smem:$0x3F98];
	s0 =	simm.s32 @p0 $0x1  }
0x13: {  	[smem:$0x3FB3] =	sst s0;
	s0 =	simm.s32 @!p1 $0x0  }
0x14: {  	s2 =	sld [smem:$0x3F97];
	s0 =	simm.s32 @p1 $0x1  }
0x15: {  	[smem:$0x3FB4] =	sst s0;
	s0 =	simm.s32 @!p2 $0x0  }
0x16: {  	s3 =	sld [smem:$0x3FDB];
	s0 =	simm.s32 @p2 $0x1  }
0x17: {  	s4 =	simm.s32 $0x1BF5;
	[smem:$0x3FB6] =	sst s0  }
0x18: {  	s0 =	sld [smem:$0x3F99];
	_ =	swait.ge [sflag:s4], $0x0  }
0x19: {  	s7 =	sld [smem:$0x3F9A]  }
0x1a: {  	s8 =	sadd.s32 $0xFFFFE003, lr  }
0x1b: {  	s9 =	sadd.s32 $0xFFFFFEF7, lr;
	s5 =	simm.s32 $0xFFFFFFFF;
	p2 =	slt.u32 s8, $0xFFFFF086  }
0x1c: {  	p1 =	slt.u32 s9, $0xF7A;
	s5 =	simm.s32 @!p2 $0x0  }
0x1d: {  	s5 =	simm.s32 @p1 $0x1;
	p0 =	seq.s32 s7, s2  }
0x1e: {  	s7 =	smul.u32 @!p0 $0xF7A, s2;
	p2 =	seq.s32 @!p0 s5, $0x0  }
0x1f: {  	s9 =	smul.u32 $0xF7A, s1;
	s8 =	simm.s32 @!p0 $0x1BF5;
	p2 =	por !p2, p0  }
0x20: {  	[sflag:s8] =	ssyncset.s32 @!p0 $0xFFFFF086;
	s6 =	sadd.s32 @!p0 s3, s7;
	s7 =	simm.s32 @!p0 $0x108  }
0x21: {  	s3 =	sadd.s32 s3, s9;
	s6 =	sadd.s32 @!p0 $0x88, s6;
	s7 =	simm.s32 @p2 $0x1082  }
0x22: {  	[simem:s7], [sflag:s8] =	dma.local @!p0 [hbm:s6], $0xF7A  }
0x23: {  	s9 =	sor.u32 $0xD0000000, s2;
	s6 =	simm.s32 $0x108;
	_ =	swait.ge @!p0 [sflag:s8], $0x0  }
0x24: {  	s3 =	sadd.s32 $0x88, s3;
	s6 =	simm.s32 @!p1 $0x1082;
	[sflag:s4] =	ssyncset.s32 $0xFFFFF086  }
0x25: {  	[simem:s6], [sflag:s4] =	dma.local [hbm:s3], $0xF7A  }
0x26: {  	[smem:$0x3F9A] =	sst s1;
	(tag) =	ssettag s2;
	_ =	strace s9  }
0x27: {  	s1 =	sld [smem:$0x3FAA]  }
0x28: {  	s2 =	sld [smem:$0x3FAB]  }
0x29: {  	s4 =	sld [smem:$0x3FAD]  }
0x2a: {  	p0 =	seq.s32 s5, $0x0;
	s5 =	sld [smem:$0x3FAE]  }
0x2b: {  	s6 =	sld [smem:$0x3FAF]  }
0x2c: {  	s7 =	sld [smem:$0x3FB0]  }
0x2d: {  	s3 =	simm.s32 $0x108;
	s8 =	sld [smem:$0x3FB1]  }
0x2e: {  	s3 =	simm.s32 @!p0 $0x1082;
	s9 =	sld [smem:$0x3FB2]  }
0x2f: {  	lr =	sadd.s32 s0, s3;
	s0 =	sld [smem:$0x3FA9]  }
0x30: {  	s3 =	sld [smem:$0x3FAC]  }
0x31: {  	[smem:$0x3FB5] =	sst s10  }
0x32: {  	s10 =	sld [smem:$0x3FB3];
	_ =	sdelay $0x3  }
0x33: {  	p0 =	seq.s32 s10, $0x1;
	s10 =	sld [smem:$0x3FB5];
	_ =	sdelay $0x3  }
0x34: {  	[smem:$0x3FB5] =	sst s10  }
0x35: {  	s10 =	sld [smem:$0x3FB4];
	_ =	sdelay $0x3  }
0x36: {  	p1 =	seq.s32 s10, $0x1;
	s10 =	sld [smem:$0x3FB5];
	_ =	sdelay $0x3  }
0x37: {  	[smem:$0x3FB5] =	sst s10  }
0x38: {  	s10 =	sld [smem:$0x3FB6]  }
0x39: {  	_ = 	snop;
	(pc) =	sbr.ind lr, $3  }
0x3a: {  	_ = 	snop  }
0x3b: {  	_ = 	snop  }
0x3c: {  	p2 =	seq.s32 s10, $0x1;
	s10 =	sld [smem:$0x3FB5]  }
0x3d: {  	_ =	shalt  }
0x3e: {  	_ =	shalt  }
0x3f: {  	_ =	shalt  }
0x40: {  	_ =	shalt  }
0x41: {  	_ =	shalt  }
0x42: {  	_ =	shalt  }
0x43: {  	_ =	shalt  }
0x44: {  	_ =	shalt  }
0x45: {  	_ =	shalt  }
0x46: {  	_ =	shalt  }
0x47: {  	_ =	shalt  }
0x48: {  	_ =	shalt  }
0x49: {  	_ =	shalt  }
0x4a: {  	_ =	shalt  }
0x4b: {  	_ =	shalt  }
0x4c: {  	_ =	shalt  }
0x4d: {  	_ =	shalt  }
0x4e: {  	_ =	shalt  }
0x4f: {  	_ =	shalt  }
0x50: {  	_ =	shalt  }
0x51: {  	_ =	shalt  }
0x52: {  	_ =	shalt  }
0x53: {  	_ =	shalt  }
0x54: {  	_ =	shalt  }
0x55: {  	_ =	shalt  }
0x56: {  	_ =	shalt  }
0x57: {  	_ =	shalt  }
0x58: {  	_ =	shalt  }
0x59: {  	_ =	shalt  }
0x5a: {  	_ =	shalt  }
0x5b: {  	_ =	shalt  }
0x5c: {  	_ =	shalt  }
0x5d: {  	_ =	shalt  }
0x5e: {  	_ =	shalt  }
0x5f: {  	_ =	shalt  }
0x60: {  	_ =	shalt  }
0x61: {  	_ =	shalt  }
0x62: {  	_ =	shalt  }
0x63: {  	_ =	shalt  }
0x64: {  	_ =	shalt  }
0x65: {  	_ =	shalt  }
0x66: {  	_ =	shalt  }
0x67: {  	_ =	shalt  }
0x68: {  	_ =	shalt  }
0x69: {  	_ =	shalt  }
0x6a: {  	_ =	shalt  }
0x6b: {  	_ =	shalt  }
0x6c: {  	_ =	shalt  }
0x6d: {  	_ =	shalt  }
0x6e: {  	_ =	shalt  }
0x6f: {  	_ =	shalt  }
0x70: {  	_ =	shalt  }
0x71: {  	_ =	shalt  }
0x72: {  	_ =	shalt  }
0x73: {  	_ =	shalt  }
0x74: {  	_ =	shalt  }
0x75: {  	_ =	shalt  }
0x76: {  	_ =	shalt  }
0x77: {  	_ =	shalt  }
0x78: {  	_ =	shalt  }
0x79: {  	_ =	shalt  }
0x7a: {  	_ =	shalt  }
0x7b: {  	_ =	shalt  }
0x7c: {  	_ =	shalt  }
0x7d: {  	_ =	shalt  }
0x7e: {  	_ =	shalt  }
0x7f: {  	_ =	shalt  }
0x80: {  	_ =	shalt  }
0x81: {  	_ =	shalt  }
0x82: {  	_ =	shalt  }
0x83: {  	_ =	shalt  }
0x84: {  	_ =	shalt  }
0x85: {  	_ =	shalt  }
0x86: {  	_ =	shalt  }
0x87: {  	_ =	shalt  }
.Lfunc_end0:
.L_simem_size_0:
called_computation.1_lowered:
.L_overlay_start_0:
0x88: {  	s2 =	sld [smem:$0x3FD9]  }
0x89: {  	s3 =	sld [smem:$0x3FFE];
	_ =	sdelay $0x1  }
0x8a: {  	s1 =	srdreg.scid  }
0x8b: {  	s0 =	sand.u32 $0x1, s1  }
0x8c: {  	s16 =	sshll.u32 s0, $0xA;
	s2 =	sadd.s32 s3, s2  }
0x8d: {  	s2 =	sadd.s32 s2, s16  }
0x8e: {  	[smem:$0x3FC1] =	sst s2  }
0x8f: {  	_ = 	snop  }
0x90: {  	(tm) =	ssettm $0x1  }
0x91: {  	s17 =	sld [smem:$0x3FFB];
	_ =	sdelay $0x3  }
0x92: {  	_ =	strace s17  }
0x93: {  	s2 =	sld [smem:$0x3FFC];
	_ =	sdelay $0x3  }
0x94: {  	_ =	strace s2  }
0x95: {  	s2 =	sld [smem:$0x3FFD];
	_ =	sdelay $0x3  }
0x96: {  	_ =	strace s2  }
0x97: {  	_ =	strace $0x8FFFFFFF  }
0x98: {  	s18 =	sld [smem:$0x3FDB];
	_ =	sdelay $0x1  }
0x99: {  	s19 =	simm.s32 $_scs_section_size  }
0x9a: {  	s4 =	simm.s32 $_size__tile_overlayer_lowered;
	s5 =	simm.s32 $_tile_overlayer_lowered  }
0x9b: {  	s22 =	simm.s32 $0x1BFF;
	s21 =	sshll.u32 s5, $0x1;
	s2 =	sadd.s32 s19, s18  }
0x9c: {  	s6 =	simm.s32 $0x0;
	s20 =	sshll.u32 s4, $0x1;
	s4 =	sadd.s32 s21, s2  }
0x9d: {  	[timem:s6], [sflag:s22] =	dma.local [hbm:s4], s20  }
0x9e: {  	_ =	swait.ge [sflag:s22], s20  }
0x9f: {  	s3 =	ssub.s32 $0x0, s20;
	[sflag:s22] =	ssyncset.done $0x0  }
0xa0: {  	[sflag:s22] =	ssyncadd.s32 s3;
	_ =	sdelay $0x1  }
0xa1: {  	s23 =	simm.s32 $0x1B8B  }
0xa2: {  	_ =	swait.ge [sflag:s23], $0x1  }
0xa3: {  	[sflag:s23] =	ssyncset.done $0x0  }
0xa4: {  	s25 =	simm.s32 $0x1B8E;
	s24 =	sld [smem:$0x3FFE];
	[sflag:s23] =	ssyncadd.s32 $0xFFFFFFFF  }
0xa5: {  	s26 =	simm.s32 $execute0_lowered;
	[smem:$0x3FD2] =	sst s25  }
0xa6: {  	s4 =	sshll.u32 s26, $0x1;
	_ =	strace $0x80000049;
	[dreg:$0x1] =	wrdreg $0xFFFFFFFF  }
0xa7: {  	s28 =	simm.s32 $_size_execute0_lowered;
	s2 =	sadd.s32 s2, s4;
	[dreg:$0x0] =	wrdreg $0x0  }
0xa8: {  	s4 =	sshll.u32 s28, $0x1;
	[dreg:$0x2] =	wrdreg s2  }
0xa9: {  	[dreg:$0x3] =	wrdreg s4  }
0xaa: {  	[dreg:$0x4] =	wrdreg $0xC0  }
0xab: {  	_ =	task [dreg:s6], $0x5FFFF  }
0xac: {  	[dreg:$0x1] =	wrdreg $0xFFFFFFFF  }
0xad: {  	[dreg:$0x0] =	wrdreg $0x60  }
0xae: {  	[dreg:$0x2] =	wrdreg s24  }
0xaf: {  	[dreg:$0x3] =	wrdreg $0x9  }
0xb0: {  	_ =	task.clear_ibuf [dreg:s6], $0x4FFFF;
	_ =	strace $0x90000049  }
0xb1: {  	s29 =	simm.s32 $0x9;
	_ =	strace $0x8000004B  }
0xb2: {  	_ =	swait.ge [sflag:s29], $0x1  }
0xb3: {  	[sflag:s29] =	ssyncadd.s32 $0xFFFFFFFF  }
0xb4: {  	_ =	strace $0x9000004B  }
0xb5: {  	_ =	sfence  }
0xb6: {  	s30 =	sld [smem:$0x0];
	_ =	sdelay $0x2  }
0xb7: {  	s31 =	sshll.u32 s1, $0xD;
	s1 =	sshrl.u32 s1, $0x2  }
0xb8: {  	s3 =	sand.u32 $0x4000, s31;
	s1 =	sadd.s32 s1, s30  }
0xb9: {  	s0 =	sor.u32 s3, s0;
	s1 =	sshll.u32 s1, $0x11  }
0xba: {  	s0 =	sor.u32 s1, s0  }
0xbb: {  	s0 =	sadd.s32 $0x8F2B, s0  }
0xbc: {  	[sflag:s0] =	ssyncadd.remote.s32 $0x1  }
0xbd: {  	_ =	sfence.sel $0xFFFF  }
0xbe: {  	[dreg:$0x0] =	wrdreg $0xFFFFFFFF;
	(pc) =	sbr.abs _section_cstart, $3  }
0xbf: {  	[dreg:$0x1] =	wrdreg $0xFFFFFFFF  }
0xc0: {  	_ =	task.clear_ibuf [dreg:s6], $0x2FFFF;
	_ =	strace $0x9FFFFFFF  }
0xc1: {  	(tm) =	ssettm $0x7FFFFFFF  }
tec
execute0_lowered:
.L_overlay_start_1:
0x0: {  	(tag) =	ssettag $0x1  }
0x1: {  	s0 =	rddreg [dreg:$0x0];
	s1 =	srdreg.scid  }
0x2: {  	s2 =	simm.s32 $0x0;
	s3 =	stileid.u32;
	s18 =	simm.s32 $0x1  }
0x3: {  	s20 =	simm.s32 $0x880;
	s21 =	simm.s32 $0x1080;
	s22 =	simm.s32 $0x1880  }
0x4: {  	s23 =	simm.s32 $0x2080;
	s28 =	simm.s32 $0x4080;
	s29 =	simm.s32 $0x4880  }
0x5: {  	s30 =	simm.s32 $0x5080;
	s31 =	simm.s32 $0x5880;
	s11 =	simm.s32 $0x7880  }
0x6: {  	s12 =	simm.s32 $0x8080;
	s13 =	simm.s32 $0x8880;
	s14 =	simm.s32 $0x9080  }
0x7: {  	s15 =	simm.s32 $0x9880;
	s16 =	simm.s32 $0xA080;
	s17 =	simm.s32 $0xA880  }
0x8: {  	s1 =	sand.u32 $0x1, s1;
	[smem:$0x7FF] =	sst s2;
	s3 =	sshll.u32 s3, $0x8  }
0x9: {  	s6 =	sadd.s32 $0x4A200, s0;
	s8 =	sadd.s32 $0x4A400, s0;
	s4 =	sshll.u32 s1, $0x7  }
0xa: {  	_ =	strace $0x8000004A;
	s1 =	ssub.s32 $0x2, s1;
	s5 =	sor.u32 s4, s3  }
0xb: {  	s3 =	sadd.s32 $0x10A400, s0;
	s7 =	sshrl.u32 s1, $0x1;
	s4 =	sshrl.u32 s5, $0x3  }
0xc: {  	s1 =	ssub.s32 s1, s7;
	s24 =	sshll.u32 s5, $0x7;
	s9 =	sor.u32 $0x40, s5  }
0xd: {  	s5 =	sadd.s32 $0x10A600, s0;
	s4 =	sadd.s32 s6, s4;
	s7 =	sadd.s32 s8, s24  }
0xe: {  	s10 =	sshrl.u32 s9, $0x3;
	s9 =	sshll.u32 s9, $0x7;
	[dreg:$0x2] =	wrdreg s4  }
0xf: {  	s24 =	simm.s32 $0x2880;
	s4 =	sadd.s32 $0x10A500, s0;
	[dreg:$0x3] =	wrdreg s7  }
0x10: {  	s25 =	sadd.s32 s6, s10;
	s6 =	sadd.s32 $0x10A700, s0;
	s26 =	sadd.s32 s8, s9  }
0x11: {  	v2 =	vlaneseq.u32;
	s7 =	smax.u32 s1, $0x1;
	s8 =	simm.s32 $0x2;
	s0 =	simm.s32 $0x80  }
0x12: {  	vm0 =	vmmov $0xffff;
	v1 =	vshrl.u32 v2, $0x3;
	s10 =	simm.s32 $0x7080;
	s9 =	simm.s32 $0xB080;
	[dreg:$0x4] =	wrdreg s25  }
0x13: {  	v0 =	vand.u32 $0x7, v2;
	v2 =	vor.u32 $0x8, v2;
	v1 =	vmul.u32 $0x8, v1;
	[dreg:$0x5] =	wrdreg s26;
	s25 =	simm.s32 $0x3080;
	s26 =	simm.s32 $0x3880  }
.LBB2_1:
0x14: {  	s19 =	rddreg [dreg:$0x2]  }
0x15: {  	[tilespmem:s2], [sflag:$0x2] =	stream.linear.gather [hbm4b:s19+s2], $0x40, $0x38;
	[tilespmem:$0x10080] =	vst v63  }
0x16: {  	_ =	swait.ge [sflag:s8], $0x40  }
0x17: {  	[sflag:s8] =	ssyncset.done $0x0  }
0x18: {  	[sflag:s8] =	ssyncadd.s32 $0xFFFFFFC0  }
0x19: {  	v3 =	vld [tilespmem:$0x0];
	_ =	sdelay $0x4  }
0x1a: {  	v4 =	vshll.u32 v3, $0x3  }
0x1b: {  	v3 =	vand.u32 $0x7, v3;
	v4 =	vand.u32 $0xFFFFFFC0, v4  }
0x1c: {  	v3 =	vor.u32 v3, v4  }
0x1d: {  	v4 =	vperm.xlane v3, v0;
	_ =	sdelay $0x1  }
0x1e: {  	v4 =	vadd.s32 v1, v4;
	_ =	sdelay $0x4  }
0x1f: {  	[tilespmem:s0], [sflag:$0x1] =	stream.indirect_vreg.gather [hbm4b:s3+s2], $0x80, v4, vm0, $0xb8;
	[tilespmem:$0x10080] =	vst v63  }
0x20: {  	v3 =	vperm.xlane v3, v2  }
0x21: {  	[tilespmem:s20], [sflag:$0x1] =	stream.indirect_vreg.gather [hbm4b:s4+s2], $0x80, v4, vm0, $0xb8;
	[tilespmem:$0x10080] =	vst v63  }
0x22: {  	v3 =	vadd.s32 v1, v3  }
0x23: {  	[tilespmem:s21], [sflag:$0x1] =	stream.indirect_vreg.gather [hbm4b:s5+s2], $0x80, v4, vm0, $0xb8;
	[tilespmem:$0x10080] =	vst v63  }
0x24: {  	_ = 	snop  }
0x25: {  	[tilespmem:s22], [sflag:$0x1] =	stream.indirect_vreg.gather [hbm4b:s6+s2], $0x80, v4, vm0, $0xb8;
	[tilespmem:$0x10080] =	vst v63  }
0x26: {  	_ = 	snop  }
0x27: {  	[tilespmem:s23], [sflag:$0x1] =	stream.indirect_vreg.gather [hbm4b:s3+s2], $0x80, v3, vm0, $0xb8;
	[tilespmem:$0x10080] =	vst v63  }
0x28: {  	_ = 	snop  }
0x29: {  	[tilespmem:s24], [sflag:$0x1] =	stream.indirect_vreg.gather [hbm4b:s4+s2], $0x80, v3, vm0, $0xb8;
	[tilespmem:$0x10080] =	vst v63  }
0x2a: {  	_ = 	snop  }
0x2b: {  	[tilespmem:s25], [sflag:$0x1] =	stream.indirect_vreg.gather [hbm4b:s5+s2], $0x80, v3, vm0, $0xb8;
	[tilespmem:$0x10080] =	vst v63  }
0x2c: {  	_ = 	snop  }
0x2d: {  	[tilespmem:s26], [sflag:$0x1] =	stream.indirect_vreg.gather [hbm4b:s6+s2], $0x80, v3, vm0, $0xb8;
	[tilespmem:$0x10080] =	vst v63  }
0x2e: {  	v3 =	vld [tilespmem:$0x10];
	_ =	sdelay $0x4  }
0x2f: {  	v57 =	vshll.u32 v3, $0x3  }
0x30: {  	v3 =	vand.u32 $0x7, v3;
	v4 =	vand.u32 $0xFFFFFFC0, v57  }
0x31: {  	v3 =	vor.u32 v3, v4  }
0x32: {  	v4 =	vperm.xlane v3, v0;
	_ =	sdelay $0x1  }
0x33: {  	v4 =	vadd.s32 v1, v4;
	_ =	sdelay $0x4  }
0x34: {  	[tilespmem:s28], [sflag:$0x1] =	stream.indirect_vreg.gather [hbm4b:s3+s2], $0x80, v4, vm0, $0xb8;
	[tilespmem:$0x10080] =	vst v63  }
0x35: {  	v3 =	vperm.xlane v3, v2  }
0x36: {  	[tilespmem:s29], [sflag:$0x1] =	stream.indirect_vreg.gather [hbm4b:s4+s2], $0x80, v4, vm0, $0xb8;
	[tilespmem:$0x10080] =	vst v63  }
0x37: {  	v3 =	vadd.s32 v1, v3  }
0x38: {  	[tilespmem:s30], [sflag:$0x1] =	stream.indirect_vreg.gather [hbm4b:s5+s2], $0x80, v4, vm0, $0xb8;
	[tilespmem:$0x10080] =	vst v63  }
0x39: {  	_ = 	snop  }
0x3a: {  	[tilespmem:s31], [sflag:$0x1] =	stream.indirect_vreg.gather [hbm4b:s6+s2], $0x80, v4, vm0, $0xb8;
	[tilespmem:$0x10080] =	vst v63  }
0x3b: {  	s1 =	simm.s32 $0x6080  }
0x3c: {  	[tilespmem:s1], [sflag:$0x1] =	stream.indirect_vreg.gather [hbm4b:s3+s2], $0x80, v3, vm0, $0xb8;
	[tilespmem:$0x10080] =	vst v63  }
0x3d: {  	s1 =	simm.s32 $0x6880  }
0x3e: {  	[tilespmem:s1], [sflag:$0x1] =	stream.indirect_vreg.gather [hbm4b:s4+s2], $0x80, v3, vm0, $0xb8;
	[tilespmem:$0x10080] =	vst v63  }
0x3f: {  	_ = 	snop  }
0x40: {  	[tilespmem:s10], [sflag:$0x1] =	stream.indirect_vreg.gather [hbm4b:s5+s2], $0x80, v3, vm0, $0xb8;
	[tilespmem:$0x10080] =	vst v63  }
0x41: {  	_ = 	snop  }
0x42: {  	[tilespmem:s11], [sflag:$0x1] =	stream.indirect_vreg.gather [hbm4b:s6+s2], $0x80, v3, vm0, $0xb8;
	[tilespmem:$0x10080] =	vst v63  }
0x43: {  	v3 =	vld [tilespmem:$0x20];
	_ =	sdelay $0x4  }
0x44: {  	v58 =	vshll.u32 v3, $0x3  }
0x45: {  	v3 =	vand.u32 $0x7, v3;
	v4 =	vand.u32 $0xFFFFFFC0, v58  }
0x46: {  	v3 =	vor.u32 v3, v4  }
0x47: {  	v4 =	vperm.xlane v3, v0;
	_ =	sdelay $0x1  }
0x48: {  	v4 =	vadd.s32 v1, v4;
	_ =	sdelay $0x4  }
0x49: {  	[tilespmem:s12], [sflag:$0x1] =	stream.indirect_vreg.gather [hbm4b:s3+s2], $0x80, v4, vm0, $0xb8;
	[tilespmem:$0x10080] =	vst v63  }
0x4a: {  	v3 =	vperm.xlane v3, v2  }
0x4b: {  	[tilespmem:s13], [sflag:$0x1] =	stream.indirect_vreg.gather [hbm4b:s4+s2], $0x80, v4, vm0, $0xb8;
	[tilespmem:$0x10080] =	vst v63  }
0x4c: {  	v3 =	vadd.s32 v1, v3  }
0x4d: {  	[tilespmem:s14], [sflag:$0x1] =	stream.indirect_vreg.gather [hbm4b:s5+s2], $0x80, v4, vm0, $0xb8;
	[tilespmem:$0x10080] =	vst v63  }
0x4e: {  	_ = 	snop  }
0x4f: {  	[tilespmem:s15], [sflag:$0x1] =	stream.indirect_vreg.gather [hbm4b:s6+s2], $0x80, v4, vm0, $0xb8;
	[tilespmem:$0x10080] =	vst v63  }
0x50: {  	_ = 	snop  }
0x51: {  	[tilespmem:s16], [sflag:$0x1] =	stream.indirect_vreg.gather [hbm4b:s3+s2], $0x80, v3, vm0, $0xb8;
	[tilespmem:$0x10080] =	vst v63  }
0x52: {  	_ = 	snop  }
0x53: {  	[tilespmem:s17], [sflag:$0x1] =	stream.indirect_vreg.gather [hbm4b:s4+s2], $0x80, v3, vm0, $0xb8;
	[tilespmem:$0x10080] =	vst v63  }
0x54: {  	_ = 	snop  }
0x55: {  	[tilespmem:s9], [sflag:$0x1] =	stream.indirect_vreg.gather [hbm4b:s5+s2], $0x80, v3, vm0, $0xb8;
	[tilespmem:$0x10080] =	vst v63  }
0x56: {  	s19 =	simm.s32 $0xB880  }
0x57: {  	[tilespmem:s19], [sflag:$0x1] =	stream.indirect_vreg.gather [hbm4b:s6+s2], $0x80, v3, vm0, $0xb8;
	[tilespmem:$0x10080] =	vst v63  }
0x58: {  	v3 =	vld [tilespmem:$0x30];
	_ =	sdelay $0x4  }
0x59: {  	v59 =	vshll.u32 v3, $0x3  }
0x5a: {  	v3 =	vand.u32 $0x7, v3;
	v4 =	vand.u32 $0xFFFFFFC0, v59  }
0x5b: {  	v3 =	vor.u32 v3, v4  }
0x5c: {  	v4 =	vperm.xlane v3, v0;
	_ =	sdelay $0x1  }
0x5d: {  	v4 =	vadd.s32 v1, v4;
	_ =	sdelay $0x3  }
0x5e: {  	s19 =	simm.s32 $0xC080  }
0x5f: {  	[tilespmem:s19], [sflag:$0x1] =	stream.indirect_vreg.gather [hbm4b:s3+s2], $0x80, v4, vm0, $0xb8;
	[tilespmem:$0x10080] =	vst v63  }
0x60: {  	v3 =	vperm.xlane v3, v2;
	s19 =	simm.s32 $0xC880  }
0x61: {  	[tilespmem:s19], [sflag:$0x1] =	stream.indirect_vreg.gather [hbm4b:s4+s2], $0x80, v4, vm0, $0xb8;
	[tilespmem:$0x10080] =	vst v63  }
0x62: {  	v3 =	vadd.s32 v1, v3;
	s19 =	simm.s32 $0xD080  }
0x63: {  	[tilespmem:s19], [sflag:$0x1] =	stream.indirect_vreg.gather [hbm4b:s5+s2], $0x80, v4, vm0, $0xb8;
	[tilespmem:$0x10080] =	vst v63  }
0x64: {  	s19 =	simm.s32 $0xD880  }
0x65: {  	[tilespmem:s19], [sflag:$0x1] =	stream.indirect_vreg.gather [hbm4b:s6+s2], $0x80, v4, vm0, $0xb8;
	[tilespmem:$0x10080] =	vst v63  }
0x66: {  	s19 =	simm.s32 $0xE080  }
0x67: {  	[tilespmem:s19], [sflag:$0x1] =	stream.indirect_vreg.gather [hbm4b:s3+s2], $0x80, v3, vm0, $0xb8;
	[tilespmem:$0x10080] =	vst v63  }
0x68: {  	s19 =	simm.s32 $0xE880  }
0x69: {  	[tilespmem:s19], [sflag:$0x1] =	stream.indirect_vreg.gather [hbm4b:s4+s2], $0x80, v3, vm0, $0xb8;
	[tilespmem:$0x10080] =	vst v63  }
0x6a: {  	s19 =	simm.s32 $0xF080  }
0x6b: {  	[tilespmem:s19], [sflag:$0x1] =	stream.indirect_vreg.gather [hbm4b:s5+s2], $0x80, v3, vm0, $0xb8;
	[tilespmem:$0x10080] =	vst v63  }
0x6c: {  	s19 =	simm.s32 $0xF880  }
0x6d: {  	[tilespmem:s19], [sflag:$0x1] =	stream.indirect_vreg.gather [hbm4b:s6+s2], $0x80, v3, vm0, $0xb8;
	[tilespmem:$0x10080] =	vst v63  }
0x6e: {  	_ =	swait.ge [sflag:s18], $0x10000  }
0x6f: {  	[sflag:s18] =	ssyncset.done $0x0  }
0x70: {  	s19 =	rddreg [dreg:$0x3];
	[sflag:s18] =	ssyncadd.s32 $0xFFFF0000  }
0x71: {  	[hbm4b:s19+s2] =	stream.linear.scatter [tilespmem:s0], [sflag:$0x2], $0x10000, $0x38;
	[tilespmem:$0x10080] =	vst v63  }
0x72: {  	_ =	swait.ge [sflag:s8], $0x10000  }
0x73: {  	[sflag:s8] =	ssyncset.done $0x0  }
0x74: {  	s19 =	rddreg [dreg:$0x4];
	[sflag:s8] =	ssyncadd.s32 $0xFFFF0000  }
0x75: {  	[tilespmem:s2], [sflag:$0x2] =	stream.linear.gather [hbm4b:s19+s2], $0x40, $0x38;
	[tilespmem:$0x10080] =	vst v63  }
0x76: {  	_ =	swait.ge [sflag:s8], $0x40  }
0x77: {  	[sflag:s8] =	ssyncset.done $0x0  }
0x78: {  	[sflag:s8] =	ssyncadd.s32 $0xFFFFFFC0  }
0x79: {  	v3 =	vld [tilespmem:$0x0];
	_ =	sdelay $0x4  }
0x7a: {  	v60 =	vshll.u32 v3, $0x3  }
0x7b: {  	v3 =	vand.u32 $0x7, v3;
	v4 =	vand.u32 $0xFFFFFFC0, v60  }
0x7c: {  	v3 =	vor.u32 v3, v4  }
0x7d: {  	v4 =	vperm.xlane v3, v0;
	_ =	sdelay $0x1  }
0x7e: {  	v4 =	vadd.s32 v1, v4;
	_ =	sdelay $0x4  }
0x7f: {  	[tilespmem:s0], [sflag:$0x1] =	stream.indirect_vreg.gather [hbm4b:s3+s2], $0x80, v4, vm0, $0xb8;
	[tilespmem:$0x10080] =	vst v63  }
0x80: {  	v3 =	vperm.xlane v3, v2  }
0x81: {  	[tilespmem:s20], [sflag:$0x1] =	stream.indirect_vreg.gather [hbm4b:s4+s2], $0x80, v4, vm0, $0xb8;
	[tilespmem:$0x10080] =	vst v63  }
0x82: {  	v3 =	vadd.s32 v1, v3  }
0x83: {  	[tilespmem:s21], [sflag:$0x1] =	stream.indirect_vreg.gather [hbm4b:s5+s2], $0x80, v4, vm0, $0xb8;
	[tilespmem:$0x10080] =	vst v63  }
0x84: {  	_ = 	snop  }
0x85: {  	[tilespmem:s22], [sflag:$0x1] =	stream.indirect_vreg.gather [hbm4b:s6+s2], $0x80, v4, vm0, $0xb8;
	[tilespmem:$0x10080] =	vst v63  }
0x86: {  	_ = 	snop  }
0x87: {  	[tilespmem:s23], [sflag:$0x1] =	stream.indirect_vreg.gather [hbm4b:s3+s2], $0x80, v3, vm0, $0xb8;
	[tilespmem:$0x10080] =	vst v63  }
0x88: {  	_ = 	snop  }
0x89: {  	[tilespmem:s24], [sflag:$0x1] =	stream.indirect_vreg.gather [hbm4b:s4+s2], $0x80, v3, vm0, $0xb8;
	[tilespmem:$0x10080] =	vst v63  }
0x8a: {  	_ = 	snop  }
0x8b: {  	[tilespmem:s25], [sflag:$0x1] =	stream.indirect_vreg.gather [hbm4b:s5+s2], $0x80, v3, vm0, $0xb8;
	[tilespmem:$0x10080] =	vst v63  }
0x8c: {  	_ = 	snop  }
0x8d: {  	[tilespmem:s26], [sflag:$0x1] =	stream.indirect_vreg.gather [hbm4b:s6+s2], $0x80, v3, vm0, $0xb8;
	[tilespmem:$0x10080] =	vst v63  }
0x8e: {  	v3 =	vld [tilespmem:$0x10];
	_ =	sdelay $0x4  }
0x8f: {  	v61 =	vshll.u32 v3, $0x3  }
0x90: {  	v3 =	vand.u32 $0x7, v3;
	v4 =	vand.u32 $0xFFFFFFC0, v61  }
0x91: {  	v3 =	vor.u32 v3, v4  }
0x92: {  	v4 =	vperm.xlane v3, v0;
	_ =	sdelay $0x1  }
0x93: {  	v4 =	vadd.s32 v1, v4;
	_ =	sdelay $0x4  }
0x94: {  	[tilespmem:s28], [sflag:$0x1] =	stream.indirect_vreg.gather [hbm4b:s3+s2], $0x80, v4, vm0, $0xb8;
	[tilespmem:$0x10080] =	vst v63  }
0x95: {  	v3 =	vperm.xlane v3, v2  }
0x96: {  	[tilespmem:s29], [sflag:$0x1] =	stream.indirect_vreg.gather [hbm4b:s4+s2], $0x80, v4, vm0, $0xb8;
	[tilespmem:$0x10080] =	vst v63  }
0x97: {  	v3 =	vadd.s32 v1, v3  }
0x98: {  	[tilespmem:s30], [sflag:$0x1] =	stream.indirect_vreg.gather [hbm4b:s5+s2], $0x80, v4, vm0, $0xb8;
	[tilespmem:$0x10080] =	vst v63  }
0x99: {  	_ = 	snop  }
0x9a: {  	[tilespmem:s31], [sflag:$0x1] =	stream.indirect_vreg.gather [hbm4b:s6+s2], $0x80, v4, vm0, $0xb8;
	[tilespmem:$0x10080] =	vst v63  }
0x9b: {  	s19 =	simm.s32 $0x6080  }
0x9c: {  	[tilespmem:s19], [sflag:$0x1] =	stream.indirect_vreg.gather [hbm4b:s3+s2], $0x80, v3, vm0, $0xb8;
	[tilespmem:$0x10080] =	vst v63  }
0x9d: {  	_ = 	snop  }
0x9e: {  	[tilespmem:s1], [sflag:$0x1] =	stream.indirect_vreg.gather [hbm4b:s4+s2], $0x80, v3, vm0, $0xb8;
	[tilespmem:$0x10080] =	vst v63  }
0x9f: {  	_ = 	snop  }
0xa0: {  	[tilespmem:s10], [sflag:$0x1] =	stream.indirect_vreg.gather [hbm4b:s5+s2], $0x80, v3, vm0, $0xb8;
	[tilespmem:$0x10080] =	vst v63  }
0xa1: {  	_ = 	snop  }
0xa2: {  	[tilespmem:s11], [sflag:$0x1] =	stream.indirect_vreg.gather [hbm4b:s6+s2], $0x80, v3, vm0, $0xb8;
	[tilespmem:$0x10080] =	vst v63  }
0xa3: {  	v3 =	vld [tilespmem:$0x20];
	_ =	sdelay $0x4  }
0xa4: {  	v62 =	vshll.u32 v3, $0x3  }
0xa5: {  	v3 =	vand.u32 $0x7, v3;
	v4 =	vand.u32 $0xFFFFFFC0, v62  }
0xa6: {  	v3 =	vor.u32 v3, v4  }
0xa7: {  	v4 =	vperm.xlane v3, v0;
	_ =	sdelay $0x1  }
0xa8: {  	v4 =	vadd.s32 v1, v4;
	_ =	sdelay $0x4  }
0xa9: {  	[tilespmem:s12], [sflag:$0x1] =	stream.indirect_vreg.gather [hbm4b:s3+s2], $0x80, v4, vm0, $0xb8;
	[tilespmem:$0x10080] =	vst v63  }
0xaa: {  	v3 =	vperm.xlane v3, v2  }
0xab: {  	[tilespmem:s13], [sflag:$0x1] =	stream.indirect_vreg.gather [hbm4b:s4+s2], $0x80, v4, vm0, $0xb8;
	[tilespmem:$0x10080] =	vst v63  }
0xac: {  	v3 =	vadd.s32 v1, v3  }
0xad: {  	[tilespmem:s14], [sflag:$0x1] =	stream.indirect_vreg.gather [hbm4b:s5+s2], $0x80, v4, vm0, $0xb8;
	[tilespmem:$0x10080] =	vst v63  }
0xae: {  	_ = 	snop  }
0xaf: {  	[tilespmem:s15], [sflag:$0x1] =	stream.indirect_vreg.gather [hbm4b:s6+s2], $0x80, v4, vm0, $0xb8;
	[tilespmem:$0x10080] =	vst v63  }
0xb0: {  	_ = 	snop  }
0xb1: {  	[tilespmem:s16], [sflag:$0x1] =	stream.indirect_vreg.gather [hbm4b:s3+s2], $0x80, v3, vm0, $0xb8;
	[tilespmem:$0x10080] =	vst v63  }
0xb2: {  	_ = 	snop  }
0xb3: {  	[tilespmem:s17], [sflag:$0x1] =	stream.indirect_vreg.gather [hbm4b:s4+s2], $0x80, v3, vm0, $0xb8;
	[tilespmem:$0x10080] =	vst v63  }
0xb4: {  	_ = 	snop  }
0xb5: {  	[tilespmem:s9], [sflag:$0x1] =	stream.indirect_vreg.gather [hbm4b:s5+s2], $0x80, v3, vm0, $0xb8;
	[tilespmem:$0x10080] =	vst v63  }
0xb6: {  	s19 =	simm.s32 $0xB880  }
0xb7: {  	[tilespmem:s19], [sflag:$0x1] =	stream.indirect_vreg.gather [hbm4b:s6+s2], $0x80, v3, vm0, $0xb8;
	[tilespmem:$0x10080] =	vst v63  }
0xb8: {  	v3 =	vld [tilespmem:$0x30];
	_ =	sdelay $0x4  }
0xb9: {  	v63 =	vshll.u32 v3, $0x3  }
0xba: {  	v3 =	vand.u32 $0x7, v3;
	v4 =	vand.u32 $0xFFFFFFC0, v63  }
0xbb: {  	v3 =	vor.u32 v3, v4  }
0xbc: {  	v4 =	vperm.xlane v3, v0;
	_ =	sdelay $0x1  }
0xbd: {  	v4 =	vadd.s32 v1, v4;
	_ =	sdelay $0x3  }
0xbe: {  	s19 =	simm.s32 $0xC080  }
0xbf: {  	[tilespmem:s19], [sflag:$0x1] =	stream.indirect_vreg.gather [hbm4b:s3+s2], $0x80, v4, vm0, $0xb8;
	[tilespmem:$0x10080] =	vst v63  }
0xc0: {  	v3 =	vperm.xlane v3, v2;
	s19 =	simm.s32 $0xC880  }
0xc1: {  	[tilespmem:s19], [sflag:$0x1] =	stream.indirect_vreg.gather [hbm4b:s4+s2], $0x80, v4, vm0, $0xb8;
	[tilespmem:$0x10080] =	vst v63  }
0xc2: {  	v3 =	vadd.s32 v1, v3;
	s19 =	simm.s32 $0xD080  }
0xc3: {  	[tilespmem:s19], [sflag:$0x1] =	stream.indirect_vreg.gather [hbm4b:s5+s2], $0x80, v4, vm0, $0xb8;
	[tilespmem:$0x10080] =	vst v63  }
0xc4: {  	s19 =	simm.s32 $0xD880  }
0xc5: {  	[tilespmem:s19], [sflag:$0x1] =	stream.indirect_vreg.gather [hbm4b:s6+s2], $0x80, v4, vm0, $0xb8;
	[tilespmem:$0x10080] =	vst v63  }
0xc6: {  	s19 =	simm.s32 $0xE080  }
0xc7: {  	[tilespmem:s19], [sflag:$0x1] =	stream.indirect_vreg.gather [hbm4b:s3+s2], $0x80, v3, vm0, $0xb8;
	[tilespmem:$0x10080] =	vst v63  }
0xc8: {  	s19 =	simm.s32 $0xE880  }
0xc9: {  	[tilespmem:s19], [sflag:$0x1] =	stream.indirect_vreg.gather [hbm4b:s4+s2], $0x80, v3, vm0, $0xb8;
	[tilespmem:$0x10080] =	vst v63  }
0xca: {  	s19 =	simm.s32 $0xF080  }
0xcb: {  	[tilespmem:s19], [sflag:$0x1] =	stream.indirect_vreg.gather [hbm4b:s5+s2], $0x80, v3, vm0, $0xb8;
	[tilespmem:$0x10080] =	vst v63  }
0xcc: {  	s19 =	simm.s32 $0xF880  }
0xcd: {  	[tilespmem:s19], [sflag:$0x1] =	stream.indirect_vreg.gather [hbm4b:s6+s2], $0x80, v3, vm0, $0xb8;
	[tilespmem:$0x10080] =	vst v63  }
0xce: {  	_ =	swait.ge [sflag:s18], $0x10000  }
0xcf: {  	p0 =	sne.s32 s7, $0x1;
	[sflag:s18] =	ssyncset.done $0x0  }
.Ltmp0:
0xd0: {  	s1 =	rddreg [dreg:$0x5];
	[sflag:s18] =	ssyncadd.s32 $0xFFFF0000;
	(pc) =	sbr.rel @p0 .LBB2_1-.Ltmp0, $4  }
0xd1: {  	[hbm4b:s1+s2] =	stream.linear.scatter [tilespmem:s0], [sflag:$0x2], $0x10000, $0x38;
	[tilespmem:$0x10080] =	vst v63  }
0xd2: {  	_ =	swait.ge [sflag:s8], $0x10000  }
0xd3: {  	[sflag:s8] =	ssyncset.done $0x0  }
0xd4: {  	s7 =	sadd.s32 $0xFFFFFFFF, s7;
	[sflag:s8] =	ssyncadd.s32 $0xFFFF0000  }
0xd5: {  	_ =	sfence.sel $0x180000  }
0xd6: {  	[bflag:$0x0] =	sbarrier.arrive $0xFFFF  }
0xd7: {  	_ =	strace $0x9000004A  }
0xd8: {  	s0 =	stileid.u32;
	[bflag:$0x2] =	sbarrier.arrive $0xFFFF  }
0xd9: {  	p0 =	sne.s32 s0, $0x0;
	s0 =	rddreg [dreg:$0x1]  }
0xda: {  	s0 =	sadd.s32 @!p0 $0x100000, s0  }
0xdb: {  	[sflag:s0] =	ssyncadd.tile.s32 @!p0 $0x1;
	_ =	shalt  }
.Lfunc_end2:
_tile_overlayer_lowered:
.L_overlay_start_2:
0xdc: {  	(tag) =	ssettag $0x2  }
0xdd: {  	s0 =	rddreg [dreg:$0x0];
	s2 =	stileid.u32  }
0xde: {  	s1 =	rddreg [dreg:$0x1];
	p0 =	sne.s32 s2, $0x0  }
0xdf: {  	s3 =	rddreg [dreg:$0x2];
	[bflag:$0x3] =	sbarrier.arrive $0xFFFF;
	s2 =	simm.s32 @!p0 $0x1C02  }
0xe0: {  	[timem:s3], [sflag:s2] =	dma.local @!p0 [hbm:s0], s1  }
0xe1: {  	s0 =	simm.s32 @!p0 $0x2  }
0xe2: {  	_ =	swait.ge @!p0 [sflag:s0], s1  }
0xe3: {  	s1 =	ssub.s32 @!p0 $0x0, s1;
	[sflag:s0] =	ssyncset.done @!p0 $0x0  }
0xe4: {  	[sflag:s0] =	ssyncadd.s32 @!p0 s1  }
0xe5: {  	[bflag:$0x3] =	sbarrier.arrive $0xFFFF  }
0xe6: {  	_ =	shalt  }

// kernel: kernel.8.cloned.1.call-start
scs
__scs_entry_jumppad:
0x0: {  	(pc) =	sbr.rel $0x88, $3  }
0x1: {  	(tag) =	ssettag $0x0;
	lr =	simm.s32 $0x1  }
0x2: {  	[smem:$0x3F9A] =	sst lr;
	_ =	strace $0xD0000000  }
0x3: {  	_ = 	snop  }
0x4: {  	_ = 	snop  }
0x5: {  	_ = 	snop  }
0x6: {  	_ = 	snop  }
0x7: {  	_ = 	snop  }
__scs_overlays_trampoline_lowered:
0x8: {  	[smem:$0x3FA9] =	sst s0  }
0x9: {  	[smem:$0x3FAA] =	sst s1  }
0xa: {  	[smem:$0x3FAB] =	sst s2  }
0xb: {  	[smem:$0x3FAC] =	sst s3  }
0xc: {  	[smem:$0x3FAD] =	sst s4  }
0xd: {  	[smem:$0x3FAE] =	sst s5  }
0xe: {  	[smem:$0x3FAF] =	sst s6  }
0xf: {  	[smem:$0x3FB0] =	sst s7  }
0x10: {  	[smem:$0x3FB1] =	sst s8  }
0x11: {  	[smem:$0x3FB2] =	sst s9;
	s0 =	simm.s32 @!p0 $0x0  }
0x12: {  	s1 =	sld [smem:$0x3F98];
	s0 =	simm.s32 @p0 $0x1  }
0x13: {  	[smem:$0x3FB3] =	sst s0;
	s0 =	simm.s32 @!p1 $0x0  }
0x14: {  	s2 =	sld [smem:$0x3F97];
	s0 =	simm.s32 @p1 $0x1  }
0x15: {  	[smem:$0x3FB4] =	sst s0;
	s0 =	simm.s32 @!p2 $0x0  }
0x16: {  	s3 =	sld [smem:$0x3FDB];
	s0 =	simm.s32 @p2 $0x1  }
0x17: {  	s4 =	simm.s32 $0x1BF5;
	[smem:$0x3FB6] =	sst s0  }
0x18: {  	s0 =	sld [smem:$0x3F99];
	_ =	swait.ge [sflag:s4], $0x0  }
0x19: {  	s7 =	sld [smem:$0x3F9A]  }
0x1a: {  	s8 =	sadd.s32 $0xFFFFE003, lr  }
0x1b: {  	s9 =	sadd.s32 $0xFFFFFEF7, lr;
	s5 =	simm.s32 $0xFFFFFFFF;
	p2 =	slt.u32 s8, $0xFFFFF086  }
0x1c: {  	p1 =	slt.u32 s9, $0xF7A;
	s5 =	simm.s32 @!p2 $0x0  }
0x1d: {  	s5 =	simm.s32 @p1 $0x1;
	p0 =	seq.s32 s7, s2  }
0x1e: {  	s7 =	smul.u32 @!p0 $0xF7A, s2;
	p2 =	seq.s32 @!p0 s5, $0x0  }
0x1f: {  	s9 =	smul.u32 $0xF7A, s1;
	s8 =	simm.s32 @!p0 $0x1BF5;
	p2 =	por !p2, p0  }
0x20: {  	[sflag:s8] =	ssyncset.s32 @!p0 $0xFFFFF086;
	s6 =	sadd.s32 @!p0 s3, s7;
	s7 =	simm.s32 @!p0 $0x108  }
0x21: {  	s3 =	sadd.s32 s3, s9;
	s6 =	sadd.s32 @!p0 $0x88, s6;
	s7 =	simm.s32 @p2 $0x1082  }
0x22: {  	[simem:s7], [sflag:s8] =	dma.local @!p0 [hbm:s6], $0xF7A  }
0x23: {  	s9 =	sor.u32 $0xD0000000, s2;
	s6 =	simm.s32 $0x108;
	_ =	swait.ge @!p0 [sflag:s8], $0x0  }
0x24: {  	s3 =	sadd.s32 $0x88, s3;
	s6 =	simm.s32 @!p1 $0x1082;
	[sflag:s4] =	ssyncset.s32 $0xFFFFF086  }
0x25: {  	[simem:s6], [sflag:s4] =	dma.local [hbm:s3], $0xF7A  }
0x26: {  	[smem:$0x3F9A] =	sst s1;
	(tag) =	ssettag s2;
	_ =	strace s9  }
0x27: {  	s1 =	sld [smem:$0x3FAA]  }
0x28: {  	s2 =	sld [smem:$0x3FAB]  }
0x29: {  	s4 =	sld [smem:$0x3FAD]  }
0x2a: {  	p0 =	seq.s32 s5, $0x0;
	s5 =	sld [smem:$0x3FAE]  }
0x2b: {  	s6 =	sld [smem:$0x3FAF]  }
0x2c: {  	s7 =	sld [smem:$0x3FB0]  }
0x2d: {  	s3 =	simm.s32 $0x108;
	s8 =	sld [smem:$0x3FB1]  }
0x2e: {  	s3 =	simm.s32 @!p0 $0x1082;
	s9 =	sld [smem:$0x3FB2]  }
0x2f: {  	lr =	sadd.s32 s0, s3;
	s0 =	sld [smem:$0x3FA9]  }
0x30: {  	s3 =	sld [smem:$0x3FAC]  }
0x31: {  	[smem:$0x3FB5] =	sst s10  }
0x32: {  	s10 =	sld [smem:$0x3FB3];
	_ =	sdelay $0x3  }
0x33: {  	p0 =	seq.s32 s10, $0x1;
	s10 =	sld [smem:$0x3FB5];
	_ =	sdelay $0x3  }
0x34: {  	[smem:$0x3FB5] =	sst s10  }
0x35: {  	s10 =	sld [smem:$0x3FB4];
	_ =	sdelay $0x3  }
0x36: {  	p1 =	seq.s32 s10, $0x1;
	s10 =	sld [smem:$0x3FB5];
	_ =	sdelay $0x3  }
0x37: {  	[smem:$0x3FB5] =	sst s10  }
0x38: {  	s10 =	sld [smem:$0x3FB6]  }
0x39: {  	_ = 	snop;
	(pc) =	sbr.ind lr, $3  }
0x3a: {  	_ = 	snop  }
0x3b: {  	_ = 	snop  }
0x3c: {  	p2 =	seq.s32 s10, $0x1;
	s10 =	sld [smem:$0x3FB5]  }
0x3d: {  	_ =	shalt  }
0x3e: {  	_ =	shalt  }
0x3f: {  	_ =	shalt  }
0x40: {  	_ =	shalt  }
0x41: {  	_ =	shalt  }
0x42: {  	_ =	shalt  }
0x43: {  	_ =	shalt  }
0x44: {  	_ =	shalt  }
0x45: {  	_ =	shalt  }
0x46: {  	_ =	shalt  }
0x47: {  	_ =	shalt  }
0x48: {  	_ =	shalt  }
0x49: {  	_ =	shalt  }
0x4a: {  	_ =	shalt  }
0x4b: {  	_ =	shalt  }
0x4c: {  	_ =	shalt  }
0x4d: {  	_ =	shalt  }
0x4e: {  	_ =	shalt  }
0x4f: {  	_ =	shalt  }
0x50: {  	_ =	shalt  }
0x51: {  	_ =	shalt  }
0x52: {  	_ =	shalt  }
0x53: {  	_ =	shalt  }
0x54: {  	_ =	shalt  }
0x55: {  	_ =	shalt  }
0x56: {  	_ =	shalt  }
0x57: {  	_ =	shalt  }
0x58: {  	_ =	shalt  }
0x59: {  	_ =	shalt  }
0x5a: {  	_ =	shalt  }
0x5b: {  	_ =	shalt  }
0x5c: {  	_ =	shalt  }
0x5d: {  	_ =	shalt  }
0x5e: {  	_ =	shalt  }
0x5f: {  	_ =	shalt  }
0x60: {  	_ =	shalt  }
0x61: {  	_ =	shalt  }
0x62: {  	_ =	shalt  }
0x63: {  	_ =	shalt  }
0x64: {  	_ =	shalt  }
0x65: {  	_ =	shalt  }
0x66: {  	_ =	shalt  }
0x67: {  	_ =	shalt  }
0x68: {  	_ =	shalt  }
0x69: {  	_ =	shalt  }
0x6a: {  	_ =	shalt  }
0x6b: {  	_ =	shalt  }
0x6c: {  	_ =	shalt  }
0x6d: {  	_ =	shalt  }
0x6e: {  	_ =	shalt  }
0x6f: {  	_ =	shalt  }
0x70: {  	_ =	shalt  }
0x71: {  	_ =	shalt  }
0x72: {  	_ =	shalt  }
0x73: {  	_ =	shalt  }
0x74: {  	_ =	shalt  }
0x75: {  	_ =	shalt  }
0x76: {  	_ =	shalt  }
0x77: {  	_ =	shalt  }
0x78: {  	_ =	shalt  }
0x79: {  	_ =	shalt  }
0x7a: {  	_ =	shalt  }
0x7b: {  	_ =	shalt  }
0x7c: {  	_ =	shalt  }
0x7d: {  	_ =	shalt  }
0x7e: {  	_ =	shalt  }
0x7f: {  	_ =	shalt  }
0x80: {  	_ =	shalt  }
0x81: {  	_ =	shalt  }
0x82: {  	_ =	shalt  }
0x83: {  	_ =	shalt  }
0x84: {  	_ =	shalt  }
0x85: {  	_ =	shalt  }
0x86: {  	_ =	shalt  }
0x87: {  	_ =	shalt  }
.Lfunc_end0:
.L_simem_size_0:
called_computation_lowered:
.L_overlay_start_0:
0x88: {  	s2 =	sld [smem:$0x3FD9]  }
0x89: {  	s3 =	sld [smem:$0x3FFE];
	_ =	sdelay $0x1  }
0x8a: {  	s1 =	srdreg.scid  }
0x8b: {  	s0 =	sand.u32 $0x1, s1  }
0x8c: {  	s16 =	sshll.u32 s0, $0xA;
	s2 =	sadd.s32 s3, s2  }
0x8d: {  	s2 =	sadd.s32 s2, s16  }
0x8e: {  	[smem:$0x3FC1] =	sst s2  }
0x8f: {  	_ = 	snop  }
0x90: {  	(tm) =	ssettm $0x1  }
0x91: {  	s17 =	sld [smem:$0x3FFB];
	_ =	sdelay $0x3  }
0x92: {  	_ =	strace s17  }
0x93: {  	s2 =	sld [smem:$0x3FFC];
	_ =	sdelay $0x3  }
0x94: {  	_ =	strace s2  }
0x95: {  	s2 =	sld [smem:$0x3FFD];
	_ =	sdelay $0x3  }
0x96: {  	_ =	strace s2  }
0x97: {  	_ =	strace $0x8FFFFFFF  }
0x98: {  	s18 =	sld [smem:$0x3FDB];
	_ =	sdelay $0x1  }
0x99: {  	s19 =	simm.s32 $_scs_section_size  }
0x9a: {  	s4 =	simm.s32 $_size__tile_overlayer_lowered;
	s5 =	simm.s32 $_tile_overlayer_lowered  }
0x9b: {  	s22 =	simm.s32 $0x1BFF;
	s21 =	sshll.u32 s5, $0x1;
	s2 =	sadd.s32 s19, s18  }
0x9c: {  	s6 =	simm.s32 $0x0;
	s20 =	sshll.u32 s4, $0x1;
	s4 =	sadd.s32 s21, s2  }
0x9d: {  	[timem:s6], [sflag:s22] =	dma.local [hbm:s4], s20  }
0x9e: {  	_ =	swait.ge [sflag:s22], s20  }
0x9f: {  	s3 =	ssub.s32 $0x0, s20;
	[sflag:s22] =	ssyncset.done $0x0  }
0xa0: {  	[sflag:s22] =	ssyncadd.s32 s3;
	_ =	sdelay $0x1  }
0xa1: {  	s23 =	simm.s32 $0x1B8B  }
0xa2: {  	_ =	swait.ge [sflag:s23], $0x1  }
0xa3: {  	[sflag:s23] =	ssyncset.done $0x0  }
0xa4: {  	s25 =	simm.s32 $0x1B8E;
	s24 =	sld [smem:$0x3FFE];
	[sflag:s23] =	ssyncadd.s32 $0xFFFFFFFF  }
0xa5: {  	s26 =	simm.s32 $execute0_lowered;
	[smem:$0x3FD2] =	sst s25  }
0xa6: {  	s4 =	sshll.u32 s26, $0x1;
	_ =	strace $0x80000046;
	[dreg:$0x1] =	wrdreg $0xFFFFFFFF  }
0xa7: {  	s28 =	simm.s32 $_size_execute0_lowered;
	s2 =	sadd.s32 s2, s4;
	[dreg:$0x0] =	wrdreg $0x0  }
0xa8: {  	s4 =	sshll.u32 s28, $0x1;
	[dreg:$0x2] =	wrdreg s2  }
0xa9: {  	[dreg:$0x3] =	wrdreg s4  }
0xaa: {  	[dreg:$0x4] =	wrdreg $0xC0  }
0xab: {  	_ =	task [dreg:s6], $0x5FFFF  }
0xac: {  	[dreg:$0x1] =	wrdreg $0xFFFFFFFF  }
0xad: {  	[dreg:$0x0] =	wrdreg $0x60  }
0xae: {  	[dreg:$0x2] =	wrdreg s24  }
0xaf: {  	[dreg:$0x3] =	wrdreg $0x9  }
0xb0: {  	_ =	task.clear_ibuf [dreg:s6], $0x4FFFF;
	_ =	strace $0x90000046  }
0xb1: {  	s29 =	simm.s32 $0x9;
	_ =	strace $0x80000048  }
0xb2: {  	_ =	swait.ge [sflag:s29], $0x1  }
0xb3: {  	[sflag:s29] =	ssyncadd.s32 $0xFFFFFFFF  }
0xb4: {  	_ =	strace $0x90000048  }
0xb5: {  	_ =	sfence  }
0xb6: {  	s30 =	sld [smem:$0x0];
	_ =	sdelay $0x2  }
0xb7: {  	s31 =	sshll.u32 s1, $0xD;
	s1 =	sshrl.u32 s1, $0x2  }
0xb8: {  	s3 =	sand.u32 $0x4000, s31;
	s1 =	sadd.s32 s1, s30  }
0xb9: {  	s0 =	sor.u32 s3, s0;
	s1 =	sshll.u32 s1, $0x11  }
0xba: {  	s0 =	sor.u32 s1, s0  }
0xbb: {  	s0 =	sadd.s32 $0x8F2B, s0  }
0xbc: {  	[sflag:s0] =	ssyncadd.remote.s32 $0x1  }
0xbd: {  	_ =	sfence.sel $0xFFFF  }
0xbe: {  	[dreg:$0x0] =	wrdreg $0xFFFFFFFF;
	(pc) =	sbr.abs _section_cstart, $3  }
0xbf: {  	[dreg:$0x1] =	wrdreg $0xFFFFFFFF  }
0xc0: {  	_ =	task.clear_ibuf [dreg:s6], $0x2FFFF;
	_ =	strace $0x9FFFFFFF  }
0xc1: {  	(tm) =	ssettm $0x7FFFFFFF  }
tec
execute0_lowered:
.L_overlay_start_1:
0x0: {  	(tag) =	ssettag $0x1  }
0x1: {  	s0 =	rddreg [dreg:$0x0];
	s1 =	simm.s32 $0x0  }
0x2: {  	s2 =	srdreg.scid;
	s4 =	stileid.u32;
	s12 =	simm.s32 $0x2  }
0x3: {  	s26 =	simm.s32 $0x1;
	[smem:$0x7FF] =	sst s1;
	s3 =	sadd.s32 $0x2000, s0  }
0x4: {  	s2 =	sand.u32 $0x1, s2;
	s8 =	sadd.s32 $0x1E00, s0;
	s4 =	sshll.u32 s4, $0x5  }
0x5: {  	s9 =	sadd.s32 $0x4A200, s0;
	_ =	strace $0x80000047;
	s5 =	sshll.u32 s2, $0x4  }
0x6: {  	s2 =	ssub.s32 $0x2, s2;
	s6 =	sor.u32 s5, s4;
	s4 =	sadd.s32 $0x4A400, s0  }
0x7: {  	s29 =	sshrl.u32 s2, $0x1;
	s5 =	sadd.s32 $0x2100, s0;
	s7 =	sadd.s32 s8, s6  }
0x8: {  	s2 =	ssub.s32 s2, s29;
	s30 =	sadd.s32 s9, s6;
	[dreg:$0x2] =	wrdreg s7  }
0x9: {  	s10 =	sor.u32 $0x8, s6;
	s6 =	sadd.s32 $0x2200, s0;
	[dreg:$0x3] =	wrdreg s30  }
0xa: {  	v2 =	vlaneseq.u32;
	s7 =	sadd.s32 $0x2300, s0;
	s11 =	sadd.s32 s8, s10;
	s8 =	sadd.s32 $0x4A500, s0  }
0xb: {  	vm0 =	vmmov $0xffff;
	v1 =	vshrl.u32 v2, $0x3;
	s31 =	sadd.s32 s9, s10;
	s9 =	sadd.s32 $0x4A600, s0;
	[dreg:$0x4] =	wrdreg s11  }
0xc: {  	v0 =	vand.u32 $0x7, v2;
	v2 =	vor.u32 $0x8, v2;
	v1 =	vmul.u32 $0x8, v1;
	s10 =	sadd.s32 $0x4A700, s0;
	[dreg:$0x5] =	wrdreg s31;
	s11 =	smax.u32 s2, $0x1  }
.LBB2_1:
0xd: {  	s28 =	rddreg [dreg:$0x2]  }
0xe: {  	[tilespmem:s1], [sflag:$0x2] =	stream.linear.gather [hbm4b:s28+s1], $0x40, $0x38;
	[tilespmem:$0x10100] =	vst v63  }
0xf: {  	_ =	swait.ge [sflag:s12], $0x40  }
0x10: {  	[sflag:s12] =	ssyncset.done $0x0  }
0x11: {  	s0 =	simm.s32 $0x80;
	s15 =	rddreg [dreg:$0x3];
	[sflag:s12] =	ssyncadd.s32 $0xFFFFFFC0  }
0x12: {  	[tilespmem:s0], [sflag:$0x2] =	stream.linear.gather [hbm4b:s15+s1], $0x40, $0x38;
	[tilespmem:$0x10100] =	vst v63  }
0x13: {  	_ =	swait.ge [sflag:s12], $0x40  }
0x14: {  	[sflag:s12] =	ssyncset.done $0x0  }
0x15: {  	[sflag:s12] =	ssyncadd.s32 $0xFFFFFFC0  }
0x16: {  	v3 =	vld [tilespmem:$0x0];
	_ =	sdelay $0x4  }
0x17: {  	v4 =	vshll.u32 v3, $0x3  }
0x18: {  	v3 =	vand.u32 $0x7, v3;
	v4 =	vand.u32 $0xFFFFFFC0, v4  }
0x19: {  	v3 =	vor.u32 v3, v4  }
0x1a: {  	v4 =	vperm.xlane v3, v0;
	_ =	sdelay $0x1  }
0x1b: {  	v4 =	vadd.s32 v1, v4;
	_ =	sdelay $0x3  }
0x1c: {  	s16 =	simm.s32 $0x100  }
0x1d: {  	[tilespmem:s16], [sflag:$0x1] =	stream.indirect_vreg.gather [hbm4b:s3+s1], $0x80, v4, vm0, $0xb8;
	[tilespmem:$0x10100] =	vst v63  }
0x1e: {  	s17 =	simm.s32 $0x900;
	v3 =	vperm.xlane v3, v2  }
0x1f: {  	[tilespmem:s17], [sflag:$0x1] =	stream.indirect_vreg.gather [hbm4b:s5+s1], $0x80, v4, vm0, $0xb8;
	[tilespmem:$0x10100] =	vst v63  }
0x20: {  	s18 =	simm.s32 $0x1100;
	v3 =	vadd.s32 v1, v3  }
0x21: {  	[tilespmem:s18], [sflag:$0x1] =	stream.indirect_vreg.gather [hbm4b:s6+s1], $0x80, v4, vm0, $0xb8;
	[tilespmem:$0x10100] =	vst v63  }
0x22: {  	s19 =	simm.s32 $0x1900  }
0x23: {  	[tilespmem:s19], [sflag:$0x1] =	stream.indirect_vreg.gather [hbm4b:s7+s1], $0x80, v4, vm0, $0xb8;
	[tilespmem:$0x10100] =	vst v63  }
0x24: {  	s20 =	simm.s32 $0x2100  }
0x25: {  	[tilespmem:s20], [sflag:$0x1] =	stream.indirect_vreg.gather [hbm4b:s3+s1], $0x80, v3, vm0, $0xb8;
	[tilespmem:$0x10100] =	vst v63  }
0x26: {  	s21 =	simm.s32 $0x2900  }
0x27: {  	[tilespmem:s21], [sflag:$0x1] =	stream.indirect_vreg.gather [hbm4b:s5+s1], $0x80, v3, vm0, $0xb8;
	[tilespmem:$0x10100] =	vst v63  }
0x28: {  	s22 =	simm.s32 $0x3100  }
0x29: {  	[tilespmem:s22], [sflag:$0x1] =	stream.indirect_vreg.gather [hbm4b:s6+s1], $0x80, v3, vm0, $0xb8;
	[tilespmem:$0x10100] =	vst v63  }
0x2a: {  	s23 =	simm.s32 $0x3900  }
0x2b: {  	[tilespmem:s23], [sflag:$0x1] =	stream.indirect_vreg.gather [hbm4b:s7+s1], $0x80, v3, vm0, $0xb8;
	[tilespmem:$0x10100] =	vst v63  }
0x2c: {  	v3 =	vld [tilespmem:$0x10];
	_ =	sdelay $0x4  }
0x2d: {  	v49 =	vshll.u32 v3, $0x3  }
0x2e: {  	v3 =	vand.u32 $0x7, v3;
	v4 =	vand.u32 $0xFFFFFFC0, v49  }
0x2f: {  	v3 =	vor.u32 v3, v4  }
0x30: {  	v4 =	vperm.xlane v3, v0;
	_ =	sdelay $0x1  }
0x31: {  	v4 =	vadd.s32 v1, v4;
	_ =	sdelay $0x3  }
0x32: {  	s24 =	simm.s32 $0x4100  }
0x33: {  	[tilespmem:s24], [sflag:$0x1] =	stream.indirect_vreg.gather [hbm4b:s3+s1], $0x80, v4, vm0, $0xb8;
	[tilespmem:$0x10100] =	vst v63  }
0x34: {  	s25 =	simm.s32 $0x4900;
	v3 =	vperm.xlane v3, v2  }
0x35: {  	[tilespmem:s25], [sflag:$0x1] =	stream.indirect_vreg.gather [hbm4b:s5+s1], $0x80, v4, vm0, $0xb8;
	[tilespmem:$0x10100] =	vst v63  }
0x36: {  	s28 =	simm.s32 $0x5100;
	v3 =	vadd.s32 v1, v3  }
0x37: {  	[tilespmem:s28], [sflag:$0x1] =	stream.indirect_vreg.gather [hbm4b:s6+s1], $0x80, v4, vm0, $0xb8;
	[tilespmem:$0x10100] =	vst v63  }
0x38: {  	s29 =	simm.s32 $0x5900  }
0x39: {  	[tilespmem:s29], [sflag:$0x1] =	stream.indirect_vreg.gather [hbm4b:s7+s1], $0x80, v4, vm0, $0xb8;
	[tilespmem:$0x10100] =	vst v63  }
0x3a: {  	s30 =	simm.s32 $0x6100  }
0x3b: {  	[tilespmem:s30], [sflag:$0x1] =	stream.indirect_vreg.gather [hbm4b:s3+s1], $0x80, v3, vm0, $0xb8;
	[tilespmem:$0x10100] =	vst v63  }
0x3c: {  	s31 =	simm.s32 $0x6900  }
0x3d: {  	[tilespmem:s31], [sflag:$0x1] =	stream.indirect_vreg.gather [hbm4b:s5+s1], $0x80, v3, vm0, $0xb8;
	[tilespmem:$0x10100] =	vst v63  }
0x3e: {  	s14 =	simm.s32 $0x7100  }
0x3f: {  	[tilespmem:s14], [sflag:$0x1] =	stream.indirect_vreg.gather [hbm4b:s6+s1], $0x80, v3, vm0, $0xb8;
	[tilespmem:$0x10100] =	vst v63  }
0x40: {  	s15 =	simm.s32 $0x7900  }
0x41: {  	[tilespmem:s15], [sflag:$0x1] =	stream.indirect_vreg.gather [hbm4b:s7+s1], $0x80, v3, vm0, $0xb8;
	[tilespmem:$0x10100] =	vst v63  }
0x42: {  	v3 =	vld [tilespmem:$0x20];
	_ =	sdelay $0x4  }
0x43: {  	v50 =	vshll.u32 v3, $0x3  }
0x44: {  	v3 =	vand.u32 $0x7, v3;
	v4 =	vand.u32 $0xFFFFFFC0, v50  }
0x45: {  	v3 =	vor.u32 v3, v4  }
0x46: {  	v4 =	vperm.xlane v3, v0;
	_ =	sdelay $0x1  }
0x47: {  	v4 =	vadd.s32 v1, v4;
	_ =	sdelay $0x3  }
0x48: {  	s19 =	simm.s32 $0x8100  }
0x49: {  	[tilespmem:s19], [sflag:$0x1] =	stream.indirect_vreg.gather [hbm4b:s3+s1], $0x80, v4, vm0, $0xb8;
	[tilespmem:$0x10100] =	vst v63  }
0x4a: {  	s20 =	simm.s32 $0x8900;
	v3 =	vperm.xlane v3, v2  }
0x4b: {  	[tilespmem:s20], [sflag:$0x1] =	stream.indirect_vreg.gather [hbm4b:s5+s1], $0x80, v4, vm0, $0xb8;
	[tilespmem:$0x10100] =	vst v63  }
0x4c: {  	s21 =	simm.s32 $0x9100;
	v3 =	vadd.s32 v1, v3  }
0x4d: {  	[tilespmem:s21], [sflag:$0x1] =	stream.indirect_vreg.gather [hbm4b:s6+s1], $0x80, v4, vm0, $0xb8;
	[tilespmem:$0x10100] =	vst v63  }
0x4e: {  	s22 =	simm.s32 $0x9900  }
0x4f: {  	[tilespmem:s22], [sflag:$0x1] =	stream.indirect_vreg.gather [hbm4b:s7+s1], $0x80, v4, vm0, $0xb8;
	[tilespmem:$0x10100] =	vst v63  }
0x50: {  	s23 =	simm.s32 $0xA100  }
0x51: {  	[tilespmem:s23], [sflag:$0x1] =	stream.indirect_vreg.gather [hbm4b:s3+s1], $0x80, v3, vm0, $0xb8;
	[tilespmem:$0x10100] =	vst v63  }
0x52: {  	s24 =	simm.s32 $0xA900  }
0x53: {  	[tilespmem:s24], [sflag:$0x1] =	stream.indirect_vreg.gather [hbm4b:s5+s1], $0x80, v3, vm0, $0xb8;
	[tilespmem:$0x10100] =	vst v63  }
0x54: {  	s25 =	simm.s32 $0xB100  }
0x55: {  	[tilespmem:s25], [sflag:$0x1] =	stream.indirect_vreg.gather [hbm4b:s6+s1], $0x80, v3, vm0, $0xb8;
	[tilespmem:$0x10100] =	vst v63  }
0x56: {  	s30 =	simm.s32 $0xB900  }
0x57: {  	[tilespmem:s30], [sflag:$0x1] =	stream.indirect_vreg.gather [hbm4b:s7+s1], $0x80, v3, vm0, $0xb8;
	[tilespmem:$0x10100] =	vst v63  }
0x58: {  	v3 =	vld [tilespmem:$0x30];
	_ =	sdelay $0x4  }
0x59: {  	v51 =	vshll.u32 v3, $0x3  }
0x5a: {  	v3 =	vand.u32 $0x7, v3;
	v4 =	vand.u32 $0xFFFFFFC0, v51  }
0x5b: {  	v3 =	vor.u32 v3, v4  }
0x5c: {  	v4 =	vperm.xlane v3, v0;
	_ =	sdelay $0x1  }
0x5d: {  	v4 =	vadd.s32 v1, v4;
	_ =	sdelay $0x3  }
0x5e: {  	s31 =	simm.s32 $0xC100  }
0x5f: {  	[tilespmem:s31], [sflag:$0x1] =	stream.indirect_vreg.gather [hbm4b:s3+s1], $0x80, v4, vm0, $0xb8;
	[tilespmem:$0x10100] =	vst v63  }
0x60: {  	s0 =	simm.s32 $0xC900;
	v3 =	vperm.xlane v3, v2  }
0x61: {  	[tilespmem:s0], [sflag:$0x1] =	stream.indirect_vreg.gather [hbm4b:s5+s1], $0x80, v4, vm0, $0xb8;
	[tilespmem:$0x10100] =	vst v63  }
0x62: {  	s14 =	simm.s32 $0xD100;
	v3 =	vadd.s32 v1, v3  }
0x63: {  	[tilespmem:s14], [sflag:$0x1] =	stream.indirect_vreg.gather [hbm4b:s6+s1], $0x80, v4, vm0, $0xb8;
	[tilespmem:$0x10100] =	vst v63  }
0x64: {  	s15 =	simm.s32 $0xD900  }
0x65: {  	[tilespmem:s15], [sflag:$0x1] =	stream.indirect_vreg.gather [hbm4b:s7+s1], $0x80, v4, vm0, $0xb8;
	[tilespmem:$0x10100] =	vst v63  }
0x66: {  	s19 =	simm.s32 $0xE100  }
0x67: {  	[tilespmem:s19], [sflag:$0x1] =	stream.indirect_vreg.gather [hbm4b:s3+s1], $0x80, v3, vm0, $0xb8;
	[tilespmem:$0x10100] =	vst v63  }
0x68: {  	s20 =	simm.s32 $0xE900  }
0x69: {  	[tilespmem:s20], [sflag:$0x1] =	stream.indirect_vreg.gather [hbm4b:s5+s1], $0x80, v3, vm0, $0xb8;
	[tilespmem:$0x10100] =	vst v63  }
0x6a: {  	s21 =	simm.s32 $0xF100  }
0x6b: {  	[tilespmem:s21], [sflag:$0x1] =	stream.indirect_vreg.gather [hbm4b:s6+s1], $0x80, v3, vm0, $0xb8;
	[tilespmem:$0x10100] =	vst v63  }
0x6c: {  	s22 =	simm.s32 $0xF900  }
0x6d: {  	[tilespmem:s22], [sflag:$0x1] =	stream.indirect_vreg.gather [hbm4b:s7+s1], $0x80, v3, vm0, $0xb8;
	[tilespmem:$0x10100] =	vst v63  }
0x6e: {  	_ =	swait.ge [sflag:s26], $0x10000  }
0x6f: {  	[sflag:s26] =	ssyncset.done $0x0  }
0x70: {  	[sflag:s26] =	ssyncadd.s32 $0xFFFF0000  }
0x71: {  	v3 =	vld [tilespmem:$0x80];
	_ =	sdelay $0x4  }
0x72: {  	v52 =	vshll.u32 v3, $0x3  }
0x73: {  	v3 =	vand.u32 $0x7, v3;
	v4 =	vand.u32 $0xFFFFFFC0, v52  }
0x74: {  	v3 =	vor.u32 v3, v4  }
0x75: {  	v4 =	vperm.xlane v3, v0;
	_ =	sdelay $0x1  }
0x76: {  	v4 =	vadd.s32 v1, v4;
	_ =	sdelay $0x3  }
0x77: {  	s2 =	simm.s32 $0x100  }
0x78: {  	[hbm4b:s4+s1] =	stream.indirect_vreg.scatter [tilespmem:s2], [sflag:$0x1], $0x80, v4, vm0, $0xb8;
	[tilespmem:$0x10100] =	vst v63  }
0x79: {  	s13 =	simm.s32 $0x900;
	v3 =	vperm.xlane v3, v2  }
0x7a: {  	[hbm4b:s8+s1] =	stream.indirect_vreg.scatter [tilespmem:s13], [sflag:$0x1], $0x80, v4, vm0, $0xb8;
	[tilespmem:$0x10100] =	vst v63  }
0x7b: {  	s0 =	simm.s32 $0x1100;
	v3 =	vadd.s32 v1, v3  }
0x7c: {  	[hbm4b:s9+s1] =	stream.indirect_vreg.scatter [tilespmem:s0], [sflag:$0x1], $0x80, v4, vm0, $0xb8;
	[tilespmem:$0x10100] =	vst v63  }
0x7d: {  	s2 =	simm.s32 $0x1900  }
0x7e: {  	[hbm4b:s10+s1] =	stream.indirect_vreg.scatter [tilespmem:s2], [sflag:$0x1], $0x80, v4, vm0, $0xb8;
	[tilespmem:$0x10100] =	vst v63  }
0x7f: {  	s13 =	simm.s32 $0x2100  }
0x80: {  	[hbm4b:s4+s1] =	stream.indirect_vreg.scatter [tilespmem:s13], [sflag:$0x1], $0x80, v3, vm0, $0xb8;
	[tilespmem:$0x10100] =	vst v63  }
0x81: {  	s14 =	simm.s32 $0x2900  }
0x82: {  	[hbm4b:s8+s1] =	stream.indirect_vreg.scatter [tilespmem:s14], [sflag:$0x1], $0x80, v3, vm0, $0xb8;
	[tilespmem:$0x10100] =	vst v63  }
0x83: {  	s15 =	simm.s32 $0x3100  }
0x84: {  	[hbm4b:s9+s1] =	stream.indirect_vreg.scatter [tilespmem:s15], [sflag:$0x1], $0x80, v3, vm0, $0xb8;
	[tilespmem:$0x10100] =	vst v63  }
0x85: {  	s16 =	simm.s32 $0x3900  }
0x86: {  	[hbm4b:s10+s1] =	stream.indirect_vreg.scatter [tilespmem:s16], [sflag:$0x1], $0x80, v3, vm0, $0xb8;
	[tilespmem:$0x10100] =	vst v63  }
0x87: {  	v3 =	vld [tilespmem:$0x90];
	_ =	sdelay $0x4  }
0x88: {  	v53 =	vshll.u32 v3, $0x3  }
0x89: {  	v3 =	vand.u32 $0x7, v3;
	v4 =	vand.u32 $0xFFFFFFC0, v53  }
0x8a: {  	v3 =	vor.u32 v3, v4  }
0x8b: {  	v4 =	vperm.xlane v3, v0;
	_ =	sdelay $0x1  }
0x8c: {  	v4 =	vadd.s32 v1, v4;
	_ =	sdelay $0x3  }
0x8d: {  	s17 =	simm.s32 $0x4100  }
0x8e: {  	[hbm4b:s4+s1] =	stream.indirect_vreg.scatter [tilespmem:s17], [sflag:$0x1], $0x80, v4, vm0, $0xb8;
	[tilespmem:$0x10100] =	vst v63  }
0x8f: {  	s18 =	simm.s32 $0x4900;
	v3 =	vperm.xlane v3, v2  }
0x90: {  	[hbm4b:s8+s1] =	stream.indirect_vreg.scatter [tilespmem:s18], [sflag:$0x1], $0x80, v4, vm0, $0xb8;
	[tilespmem:$0x10100] =	vst v63  }
0x91: {  	s16 =	simm.s32 $0x5100;
	v3 =	vadd.s32 v1, v3  }
0x92: {  	[hbm4b:s9+s1] =	stream.indirect_vreg.scatter [tilespmem:s16], [sflag:$0x1], $0x80, v4, vm0, $0xb8;
	[tilespmem:$0x10100] =	vst v63  }
0x93: {  	s17 =	simm.s32 $0x5900  }
0x94: {  	[hbm4b:s10+s1] =	stream.indirect_vreg.scatter [tilespmem:s17], [sflag:$0x1], $0x80, v4, vm0, $0xb8;
	[tilespmem:$0x10100] =	vst v63  }
0x95: {  	s18 =	simm.s32 $0x6100  }
0x96: {  	[hbm4b:s4+s1] =	stream.indirect_vreg.scatter [tilespmem:s18], [sflag:$0x1], $0x80, v3, vm0, $0xb8;
	[tilespmem:$0x10100] =	vst v63  }
0x97: {  	s19 =	simm.s32 $0x6900  }
0x98: {  	[hbm4b:s8+s1] =	stream.indirect_vreg.scatter [tilespmem:s19], [sflag:$0x1], $0x80, v3, vm0, $0xb8;
	[tilespmem:$0x10100] =	vst v63  }
0x99: {  	s20 =	simm.s32 $0x7100  }
0x9a: {  	[hbm4b:s9+s1] =	stream.indirect_vreg.scatter [tilespmem:s20], [sflag:$0x1], $0x80, v3, vm0, $0xb8;
	[tilespmem:$0x10100] =	vst v63  }
0x9b: {  	s21 =	simm.s32 $0x7900  }
0x9c: {  	[hbm4b:s10+s1] =	stream.indirect_vreg.scatter [tilespmem:s21], [sflag:$0x1], $0x80, v3, vm0, $0xb8;
	[tilespmem:$0x10100] =	vst v63  }
0x9d: {  	v3 =	vld [tilespmem:$0xA0];
	_ =	sdelay $0x4  }
0x9e: {  	v54 =	vshll.u32 v3, $0x3  }
0x9f: {  	v3 =	vand.u32 $0x7, v3;
	v4 =	vand.u32 $0xFFFFFFC0, v54  }
0xa0: {  	v3 =	vor.u32 v3, v4  }
0xa1: {  	v4 =	vperm.xlane v3, v0;
	_ =	sdelay $0x1  }
0xa2: {  	v4 =	vadd.s32 v1, v4;
	_ =	sdelay $0x3  }
0xa3: {  	s22 =	simm.s32 $0x8100  }
0xa4: {  	[hbm4b:s4+s1] =	stream.indirect_vreg.scatter [tilespmem:s22], [sflag:$0x1], $0x80, v4, vm0, $0xb8;
	[tilespmem:$0x10100] =	vst v63  }
0xa5: {  	s29 =	simm.s32 $0x8900;
	v3 =	vperm.xlane v3, v2  }
0xa6: {  	[hbm4b:s8+s1] =	stream.indirect_vreg.scatter [tilespmem:s29], [sflag:$0x1], $0x80, v4, vm0, $0xb8;
	[tilespmem:$0x10100] =	vst v63  }
0xa7: {  	v3 =	vadd.s32 v1, v3;
	s29 =	simm.s32 $0x9100  }
0xa8: {  	[hbm4b:s9+s1] =	stream.indirect_vreg.scatter [tilespmem:s29], [sflag:$0x1], $0x80, v4, vm0, $0xb8;
	[tilespmem:$0x10100] =	vst v63  }
0xa9: {  	s29 =	simm.s32 $0x9900  }
0xaa: {  	[hbm4b:s10+s1] =	stream.indirect_vreg.scatter [tilespmem:s29], [sflag:$0x1], $0x80, v4, vm0, $0xb8;
	[tilespmem:$0x10100] =	vst v63  }
0xab: {  	s29 =	simm.s32 $0xA100  }
0xac: {  	[hbm4b:s4+s1] =	stream.indirect_vreg.scatter [tilespmem:s29], [sflag:$0x1], $0x80, v3, vm0, $0xb8;
	[tilespmem:$0x10100] =	vst v63  }
0xad: {  	s29 =	simm.s32 $0xA900  }
0xae: {  	[hbm4b:s8+s1] =	stream.indirect_vreg.scatter [tilespmem:s29], [sflag:$0x1], $0x80, v3, vm0, $0xb8;
	[tilespmem:$0x10100] =	vst v63  }
0xaf: {  	s29 =	simm.s32 $0xB100  }
0xb0: {  	[hbm4b:s9+s1] =	stream.indirect_vreg.scatter [tilespmem:s29], [sflag:$0x1], $0x80, v3, vm0, $0xb8;
	[tilespmem:$0x10100] =	vst v63  }
0xb1: {  	s24 =	simm.s32 $0xB900  }
0xb2: {  	[hbm4b:s10+s1] =	stream.indirect_vreg.scatter [tilespmem:s24], [sflag:$0x1], $0x80, v3, vm0, $0xb8;
	[tilespmem:$0x10100] =	vst v63  }
0xb3: {  	v3 =	vld [tilespmem:$0xB0];
	_ =	sdelay $0x4  }
0xb4: {  	v55 =	vshll.u32 v3, $0x3  }
0xb5: {  	v3 =	vand.u32 $0x7, v3;
	v4 =	vand.u32 $0xFFFFFFC0, v55  }
0xb6: {  	v3 =	vor.u32 v3, v4  }
0xb7: {  	v4 =	vperm.xlane v3, v0;
	_ =	sdelay $0x1  }
0xb8: {  	v4 =	vadd.s32 v1, v4;
	_ =	sdelay $0x3  }
0xb9: {  	s25 =	simm.s32 $0xC100  }
0xba: {  	[hbm4b:s4+s1] =	stream.indirect_vreg.scatter [tilespmem:s25], [sflag:$0x1], $0x80, v4, vm0, $0xb8;
	[tilespmem:$0x10100] =	vst v63  }
0xbb: {  	s23 =	simm.s32 $0xC900;
	v3 =	vperm.xlane v3, v2  }
0xbc: {  	[hbm4b:s8+s1] =	stream.indirect_vreg.scatter [tilespmem:s23], [sflag:$0x1], $0x80, v4, vm0, $0xb8;
	[tilespmem:$0x10100] =	vst v63  }
0xbd: {  	s29 =	simm.s32 $0xD100;
	v3 =	vadd.s32 v1, v3  }
0xbe: {  	[hbm4b:s9+s1] =	stream.indirect_vreg.scatter [tilespmem:s29], [sflag:$0x1], $0x80, v4, vm0, $0xb8;
	[tilespmem:$0x10100] =	vst v63  }
0xbf: {  	s30 =	simm.s32 $0xD900  }
0xc0: {  	[hbm4b:s10+s1] =	stream.indirect_vreg.scatter [tilespmem:s30], [sflag:$0x1], $0x80, v4, vm0, $0xb8;
	[tilespmem:$0x10100] =	vst v63  }
0xc1: {  	s31 =	simm.s32 $0xE100  }
0xc2: {  	[hbm4b:s4+s1] =	stream.indirect_vreg.scatter [tilespmem:s31], [sflag:$0x1], $0x80, v3, vm0, $0xb8;
	[tilespmem:$0x10100] =	vst v63  }
0xc3: {  	s30 =	simm.s32 $0xE900  }
0xc4: {  	[hbm4b:s8+s1] =	stream.indirect_vreg.scatter [tilespmem:s30], [sflag:$0x1], $0x80, v3, vm0, $0xb8;
	[tilespmem:$0x10100] =	vst v63  }
0xc5: {  	s31 =	simm.s32 $0xF100  }
0xc6: {  	[hbm4b:s9+s1] =	stream.indirect_vreg.scatter [tilespmem:s31], [sflag:$0x1], $0x80, v3, vm0, $0xb8;
	[tilespmem:$0x10100] =	vst v63  }
0xc7: {  	s28 =	simm.s32 $0xF900  }
0xc8: {  	[hbm4b:s10+s1] =	stream.indirect_vreg.scatter [tilespmem:s28], [sflag:$0x1], $0x80, v3, vm0, $0xb8;
	[tilespmem:$0x10100] =	vst v63  }
0xc9: {  	_ =	swait.ge [sflag:s26], $0x10000  }
0xca: {  	[sflag:s26] =	ssyncset.done $0x0  }
0xcb: {  	s24 =	rddreg [dreg:$0x4];
	[sflag:s26] =	ssyncadd.s32 $0xFFFF0000  }
0xcc: {  	[tilespmem:s1], [sflag:$0x2] =	stream.linear.gather [hbm4b:s24+s1], $0x40, $0x38;
	[tilespmem:$0x10100] =	vst v63  }
0xcd: {  	_ =	swait.ge [sflag:s12], $0x40  }
0xce: {  	[sflag:s12] =	ssyncset.done $0x0  }
0xcf: {  	s29 =	simm.s32 $0x80;
	s25 =	rddreg [dreg:$0x5];
	[sflag:s12] =	ssyncadd.s32 $0xFFFFFFC0  }
0xd0: {  	[tilespmem:s29], [sflag:$0x2] =	stream.linear.gather [hbm4b:s25+s1], $0x40, $0x38;
	[tilespmem:$0x10100] =	vst v63  }
0xd1: {  	_ =	swait.ge [sflag:s12], $0x40  }
0xd2: {  	[sflag:s12] =	ssyncset.done $0x0  }
0xd3: {  	[sflag:s12] =	ssyncadd.s32 $0xFFFFFFC0  }
0xd4: {  	v3 =	vld [tilespmem:$0x0];
	_ =	sdelay $0x4  }
0xd5: {  	v56 =	vshll.u32 v3, $0x3  }
0xd6: {  	v3 =	vand.u32 $0x7, v3;
	v4 =	vand.u32 $0xFFFFFFC0, v56  }
0xd7: {  	v3 =	vor.u32 v3, v4  }
0xd8: {  	v4 =	vperm.xlane v3, v0;
	_ =	sdelay $0x1  }
0xd9: {  	v4 =	vadd.s32 v1, v4;
	_ =	sdelay $0x3  }
0xda: {  	s30 =	simm.s32 $0x100  }
0xdb: {  	[tilespmem:s30], [sflag:$0x1] =	stream.indirect_vreg.gather [hbm4b:s3+s1], $0x80, v4, vm0, $0xb8;
	[tilespmem:$0x10100] =	vst v63  }
0xdc: {  	s31 =	simm.s32 $0x900;
	v3 =	vperm.xlane v3, v2  }
0xdd: {  	[tilespmem:s31], [sflag:$0x1] =	stream.indirect_vreg.gather [hbm4b:s5+s1], $0x80, v4, vm0, $0xb8;
	[tilespmem:$0x10100] =	vst v63  }
0xde: {  	v3 =	vadd.s32 v1, v3  }
0xdf: {  	[tilespmem:s0], [sflag:$0x1] =	stream.indirect_vreg.gather [hbm4b:s6+s1], $0x80, v4, vm0, $0xb8;
	[tilespmem:$0x10100] =	vst v63  }
0xe0: {  	_ = 	snop  }
0xe1: {  	[tilespmem:s2], [sflag:$0x1] =	stream.indirect_vreg.gather [hbm4b:s7+s1], $0x80, v4, vm0, $0xb8;
	[tilespmem:$0x10100] =	vst v63  }
0xe2: {  	_ = 	snop  }
0xe3: {  	[tilespmem:s13], [sflag:$0x1] =	stream.indirect_vreg.gather [hbm4b:s3+s1], $0x80, v3, vm0, $0xb8;
	[tilespmem:$0x10100] =	vst v63  }
0xe4: {  	_ = 	snop  }
0xe5: {  	[tilespmem:s14], [sflag:$0x1] =	stream.indirect_vreg.gather [hbm4b:s5+s1], $0x80, v3, vm0, $0xb8;
	[tilespmem:$0x10100] =	vst v63  }
0xe6: {  	_ = 	snop  }
0xe7: {  	[tilespmem:s15], [sflag:$0x1] =	stream.indirect_vreg.gather [hbm4b:s6+s1], $0x80, v3, vm0, $0xb8;
	[tilespmem:$0x10100] =	vst v63  }
0xe8: {  	s13 =	simm.s32 $0x3900  }
0xe9: {  	[tilespmem:s13], [sflag:$0x1] =	stream.indirect_vreg.gather [hbm4b:s7+s1], $0x80, v3, vm0, $0xb8;
	[tilespmem:$0x10100] =	vst v63  }
0xea: {  	v3 =	vld [tilespmem:$0x10];
	_ =	sdelay $0x4  }
0xeb: {  	v57 =	vshll.u32 v3, $0x3  }
0xec: {  	v3 =	vand.u32 $0x7, v3;
	v4 =	vand.u32 $0xFFFFFFC0, v57  }
0xed: {  	v3 =	vor.u32 v3, v4  }
0xee: {  	v4 =	vperm.xlane v3, v0;
	_ =	sdelay $0x1  }
0xef: {  	v4 =	vadd.s32 v1, v4;
	_ =	sdelay $0x3  }
0xf0: {  	s14 =	simm.s32 $0x4100  }
0xf1: {  	[tilespmem:s14], [sflag:$0x1] =	stream.indirect_vreg.gather [hbm4b:s3+s1], $0x80, v4, vm0, $0xb8;
	[tilespmem:$0x10100] =	vst v63  }
0xf2: {  	s15 =	simm.s32 $0x4900;
	v3 =	vperm.xlane v3, v2  }
0xf3: {  	[tilespmem:s15], [sflag:$0x1] =	stream.indirect_vreg.gather [hbm4b:s5+s1], $0x80, v4, vm0, $0xb8;
	[tilespmem:$0x10100] =	vst v63  }
0xf4: {  	v3 =	vadd.s32 v1, v3  }
0xf5: {  	[tilespmem:s16], [sflag:$0x1] =	stream.indirect_vreg.gather [hbm4b:s6+s1], $0x80, v4, vm0, $0xb8;
	[tilespmem:$0x10100] =	vst v63  }
0xf6: {  	_ = 	snop  }
0xf7: {  	[tilespmem:s17], [sflag:$0x1] =	stream.indirect_vreg.gather [hbm4b:s7+s1], $0x80, v4, vm0, $0xb8;
	[tilespmem:$0x10100] =	vst v63  }
0xf8: {  	_ = 	snop  }
0xf9: {  	[tilespmem:s18], [sflag:$0x1] =	stream.indirect_vreg.gather [hbm4b:s3+s1], $0x80, v3, vm0, $0xb8;
	[tilespmem:$0x10100] =	vst v63  }
0xfa: {  	_ = 	snop  }
0xfb: {  	[tilespmem:s19], [sflag:$0x1] =	stream.indirect_vreg.gather [hbm4b:s5+s1], $0x80, v3, vm0, $0xb8;
	[tilespmem:$0x10100] =	vst v63  }
0xfc: {  	_ = 	snop  }
0xfd: {  	[tilespmem:s20], [sflag:$0x1] =	stream.indirect_vreg.gather [hbm4b:s6+s1], $0x80, v3, vm0, $0xb8;
	[tilespmem:$0x10100] =	vst v63  }
0xfe: {  	_ = 	snop  }
0xff: {  	[tilespmem:s21], [sflag:$0x1] =	stream.indirect_vreg.gather [hbm4b:s7+s1], $0x80, v3, vm0, $0xb8;
	[tilespmem:$0x10100] =	vst v63  }
0x100: {  	v3 =	vld [tilespmem:$0x20];
	_ =	sdelay $0x4  }
0x101: {  	v58 =	vshll.u32 v3, $0x3  }
0x102: {  	v3 =	vand.u32 $0x7, v3;
	v4 =	vand.u32 $0xFFFFFFC0, v58  }
0x103: {  	v3 =	vor.u32 v3, v4  }
0x104: {  	v4 =	vperm.xlane v3, v0;
	_ =	sdelay $0x1  }
0x105: {  	v4 =	vadd.s32 v1, v4;
	_ =	sdelay $0x4  }
0x106: {  	[tilespmem:s22], [sflag:$0x1] =	stream.indirect_vreg.gather [hbm4b:s3+s1], $0x80, v4, vm0, $0xb8;
	[tilespmem:$0x10100] =	vst v63  }
0x107: {  	s19 =	simm.s32 $0x8900;
	v3 =	vperm.xlane v3, v2  }
0x108: {  	[tilespmem:s19], [sflag:$0x1] =	stream.indirect_vreg.gather [hbm4b:s5+s1], $0x80, v4, vm0, $0xb8;
	[tilespmem:$0x10100] =	vst v63  }
0x109: {  	s28 =	simm.s32 $0x9100;
	v3 =	vadd.s32 v1, v3  }
0x10a: {  	[tilespmem:s28], [sflag:$0x1] =	stream.indirect_vreg.gather [hbm4b:s6+s1], $0x80, v4, vm0, $0xb8;
	[tilespmem:$0x10100] =	vst v63  }
0x10b: {  	s20 =	simm.s32 $0x9900  }
0x10c: {  	[tilespmem:s20], [sflag:$0x1] =	stream.indirect_vreg.gather [hbm4b:s7+s1], $0x80, v4, vm0, $0xb8;
	[tilespmem:$0x10100] =	vst v63  }
0x10d: {  	s21 =	simm.s32 $0xA100  }
0x10e: {  	[tilespmem:s21], [sflag:$0x1] =	stream.indirect_vreg.gather [hbm4b:s3+s1], $0x80, v3, vm0, $0xb8;
	[tilespmem:$0x10100] =	vst v63  }
0x10f: {  	s0 =	simm.s32 $0xA900  }
0x110: {  	[tilespmem:s0], [sflag:$0x1] =	stream.indirect_vreg.gather [hbm4b:s5+s1], $0x80, v3, vm0, $0xb8;
	[tilespmem:$0x10100] =	vst v63  }
0x111: {  	s2 =	simm.s32 $0xB100  }
0x112: {  	[tilespmem:s2], [sflag:$0x1] =	stream.indirect_vreg.gather [hbm4b:s6+s1], $0x80, v3, vm0, $0xb8;
	[tilespmem:$0x10100] =	vst v63  }
0x113: {  	s18 =	simm.s32 $0xB900  }
0x114: {  	[tilespmem:s18], [sflag:$0x1] =	stream.indirect_vreg.gather [hbm4b:s7+s1], $0x80, v3, vm0, $0xb8;
	[tilespmem:$0x10100] =	vst v63  }
0x115: {  	v3 =	vld [tilespmem:$0x30];
	_ =	sdelay $0x4  }
0x116: {  	v59 =	vshll.u32 v3, $0x3  }
0x117: {  	v3 =	vand.u32 $0x7, v3;
	v4 =	vand.u32 $0xFFFFFFC0, v59  }
0x118: {  	v3 =	vor.u32 v3, v4  }
0x119: {  	v4 =	vperm.xlane v3, v0;
	_ =	sdelay $0x1  }
0x11a: {  	v4 =	vadd.s32 v1, v4;
	_ =	sdelay $0x3  }
0x11b: {  	s19 =	simm.s32 $0xC100  }
0x11c: {  	[tilespmem:s19], [sflag:$0x1] =	stream.indirect_vreg.gather [hbm4b:s3+s1], $0x80, v4, vm0, $0xb8;
	[tilespmem:$0x10100] =	vst v63  }
0x11d: {  	s20 =	simm.s32 $0xC900;
	v3 =	vperm.xlane v3, v2  }
0x11e: {  	[tilespmem:s20], [sflag:$0x1] =	stream.indirect_vreg.gather [hbm4b:s5+s1], $0x80, v4, vm0, $0xb8;
	[tilespmem:$0x10100] =	vst v63  }
0x11f: {  	s13 =	simm.s32 $0xD100;
	v3 =	vadd.s32 v1, v3  }
0x120: {  	[tilespmem:s13], [sflag:$0x1] =	stream.indirect_vreg.gather [hbm4b:s6+s1], $0x80, v4, vm0, $0xb8;
	[tilespmem:$0x10100] =	vst v63  }
0x121: {  	s14 =	simm.s32 $0xD900  }
0x122: {  	[tilespmem:s14], [sflag:$0x1] =	stream.indirect_vreg.gather [hbm4b:s7+s1], $0x80, v4, vm0, $0xb8;
	[tilespmem:$0x10100] =	vst v63  }
0x123: {  	s15 =	simm.s32 $0xE100  }
0x124: {  	[tilespmem:s15], [sflag:$0x1] =	stream.indirect_vreg.gather [hbm4b:s3+s1], $0x80, v3, vm0, $0xb8;
	[tilespmem:$0x10100] =	vst v63  }
0x125: {  	s16 =	simm.s32 $0xE900  }
0x126: {  	[tilespmem:s16], [sflag:$0x1] =	stream.indirect_vreg.gather [hbm4b:s5+s1], $0x80, v3, vm0, $0xb8;
	[tilespmem:$0x10100] =	vst v63  }
0x127: {  	s17 =	simm.s32 $0xF100  }
0x128: {  	[tilespmem:s17], [sflag:$0x1] =	stream.indirect_vreg.gather [hbm4b:s6+s1], $0x80, v3, vm0, $0xb8;
	[tilespmem:$0x10100] =	vst v63  }
0x129: {  	s21 =	simm.s32 $0xF900  }
0x12a: {  	[tilespmem:s21], [sflag:$0x1] =	stream.indirect_vreg.gather [hbm4b:s7+s1], $0x80, v3, vm0, $0xb8;
	[tilespmem:$0x10100] =	vst v63  }
0x12b: {  	_ =	swait.ge [sflag:s26], $0x10000  }
0x12c: {  	[sflag:s26] =	ssyncset.done $0x0  }
0x12d: {  	[sflag:s26] =	ssyncadd.s32 $0xFFFF0000  }
0x12e: {  	v3 =	vld [tilespmem:$0x80];
	_ =	sdelay $0x4  }
0x12f: {  	v60 =	vshll.u32 v3, $0x3  }
0x130: {  	v3 =	vand.u32 $0x7, v3;
	v4 =	vand.u32 $0xFFFFFFC0, v60  }
0x131: {  	v3 =	vor.u32 v3, v4  }
0x132: {  	v4 =	vperm.xlane v3, v0;
	_ =	sdelay $0x1  }
0x133: {  	v4 =	vadd.s32 v1, v4;
	_ =	sdelay $0x3  }
0x134: {  	s22 =	simm.s32 $0x100  }
0x135: {  	[hbm4b:s4+s1] =	stream.indirect_vreg.scatter [tilespmem:s22], [sflag:$0x1], $0x80, v4, vm0, $0xb8;
	[tilespmem:$0x10100] =	vst v63  }
0x136: {  	v3 =	vperm.xlane v3, v2;
	s22 =	simm.s32 $0x900  }
0x137: {  	[hbm4b:s8+s1] =	stream.indirect_vreg.scatter [tilespmem:s22], [sflag:$0x1], $0x80, v4, vm0, $0xb8;
	[tilespmem:$0x10100] =	vst v63  }
0x138: {  	s24 =	simm.s32 $0x1100;
	v3 =	vadd.s32 v1, v3  }
0x139: {  	[hbm4b:s9+s1] =	stream.indirect_vreg.scatter [tilespmem:s24], [sflag:$0x1], $0x80, v4, vm0, $0xb8;
	[tilespmem:$0x10100] =	vst v63  }
0x13a: {  	s25 =	simm.s32 $0x1900  }
0x13b: {  	[hbm4b:s10+s1] =	stream.indirect_vreg.scatter [tilespmem:s25], [sflag:$0x1], $0x80, v4, vm0, $0xb8;
	[tilespmem:$0x10100] =	vst v63  }
0x13c: {  	s30 =	simm.s32 $0x2100  }
0x13d: {  	[hbm4b:s4+s1] =	stream.indirect_vreg.scatter [tilespmem:s30], [sflag:$0x1], $0x80, v3, vm0, $0xb8;
	[tilespmem:$0x10100] =	vst v63  }
0x13e: {  	s31 =	simm.s32 $0x2900  }
0x13f: {  	[hbm4b:s8+s1] =	stream.indirect_vreg.scatter [tilespmem:s31], [sflag:$0x1], $0x80, v3, vm0, $0xb8;
	[tilespmem:$0x10100] =	vst v63  }
0x140: {  	s22 =	simm.s32 $0x3100  }
0x141: {  	[hbm4b:s9+s1] =	stream.indirect_vreg.scatter [tilespmem:s22], [sflag:$0x1], $0x80, v3, vm0, $0xb8;
	[tilespmem:$0x10100] =	vst v63  }
0x142: {  	s25 =	simm.s32 $0x3900  }
0x143: {  	[hbm4b:s10+s1] =	stream.indirect_vreg.scatter [tilespmem:s25], [sflag:$0x1], $0x80, v3, vm0, $0xb8;
	[tilespmem:$0x10100] =	vst v63  }
0x144: {  	v3 =	vld [tilespmem:$0x90];
	_ =	sdelay $0x4  }
0x145: {  	v61 =	vshll.u32 v3, $0x3  }
0x146: {  	v3 =	vand.u32 $0x7, v3;
	v4 =	vand.u32 $0xFFFFFFC0, v61  }
0x147: {  	v3 =	vor.u32 v3, v4  }
0x148: {  	v4 =	vperm.xlane v3, v0;
	_ =	sdelay $0x1  }
0x149: {  	v4 =	vadd.s32 v1, v4;
	_ =	sdelay $0x3  }
0x14a: {  	s30 =	simm.s32 $0x4100  }
0x14b: {  	[hbm4b:s4+s1] =	stream.indirect_vreg.scatter [tilespmem:s30], [sflag:$0x1], $0x80, v4, vm0, $0xb8;
	[tilespmem:$0x10100] =	vst v63  }
0x14c: {  	s31 =	simm.s32 $0x4900;
	v3 =	vperm.xlane v3, v2  }
0x14d: {  	[hbm4b:s8+s1] =	stream.indirect_vreg.scatter [tilespmem:s31], [sflag:$0x1], $0x80, v4, vm0, $0xb8;
	[tilespmem:$0x10100] =	vst v63  }
0x14e: {  	s22 =	simm.s32 $0x5100;
	v3 =	vadd.s32 v1, v3  }
0x14f: {  	[hbm4b:s9+s1] =	stream.indirect_vreg.scatter [tilespmem:s22], [sflag:$0x1], $0x80, v4, vm0, $0xb8;
	[tilespmem:$0x10100] =	vst v63  }
0x150: {  	s25 =	simm.s32 $0x5900  }
0x151: {  	[hbm4b:s10+s1] =	stream.indirect_vreg.scatter [tilespmem:s25], [sflag:$0x1], $0x80, v4, vm0, $0xb8;
	[tilespmem:$0x10100] =	vst v63  }
0x152: {  	s30 =	simm.s32 $0x6100  }
0x153: {  	[hbm4b:s4+s1] =	stream.indirect_vreg.scatter [tilespmem:s30], [sflag:$0x1], $0x80, v3, vm0, $0xb8;
	[tilespmem:$0x10100] =	vst v63  }
0x154: {  	s31 =	simm.s32 $0x6900  }
0x155: {  	[hbm4b:s8+s1] =	stream.indirect_vreg.scatter [tilespmem:s31], [sflag:$0x1], $0x80, v3, vm0, $0xb8;
	[tilespmem:$0x10100] =	vst v63  }
0x156: {  	s22 =	simm.s32 $0x7100  }
0x157: {  	[hbm4b:s9+s1] =	stream.indirect_vreg.scatter [tilespmem:s22], [sflag:$0x1], $0x80, v3, vm0, $0xb8;
	[tilespmem:$0x10100] =	vst v63  }
0x158: {  	s25 =	simm.s32 $0x7900  }
0x159: {  	[hbm4b:s10+s1] =	stream.indirect_vreg.scatter [tilespmem:s25], [sflag:$0x1], $0x80, v3, vm0, $0xb8;
	[tilespmem:$0x10100] =	vst v63  }
0x15a: {  	v3 =	vld [tilespmem:$0xA0];
	_ =	sdelay $0x4  }
0x15b: {  	v62 =	vshll.u32 v3, $0x3  }
0x15c: {  	v3 =	vand.u32 $0x7, v3;
	v4 =	vand.u32 $0xFFFFFFC0, v62  }
0x15d: {  	v3 =	vor.u32 v3, v4  }
0x15e: {  	v4 =	vperm.xlane v3, v0;
	_ =	sdelay $0x1  }
0x15f: {  	v4 =	vadd.s32 v1, v4;
	_ =	sdelay $0x3  }
0x160: {  	s30 =	simm.s32 $0x8100  }
0x161: {  	[hbm4b:s4+s1] =	stream.indirect_vreg.scatter [tilespmem:s30], [sflag:$0x1], $0x80, v4, vm0, $0xb8;
	[tilespmem:$0x10100] =	vst v63  }
0x162: {  	s31 =	simm.s32 $0x8900;
	v3 =	vperm.xlane v3, v2  }
0x163: {  	[hbm4b:s8+s1] =	stream.indirect_vreg.scatter [tilespmem:s31], [sflag:$0x1], $0x80, v4, vm0, $0xb8;
	[tilespmem:$0x10100] =	vst v63  }
0x164: {  	v3 =	vadd.s32 v1, v3  }
0x165: {  	[hbm4b:s9+s1] =	stream.indirect_vreg.scatter [tilespmem:s28], [sflag:$0x1], $0x80, v4, vm0, $0xb8;
	[tilespmem:$0x10100] =	vst v63  }
0x166: {  	s29 =	simm.s32 $0x9900  }
0x167: {  	[hbm4b:s10+s1] =	stream.indirect_vreg.scatter [tilespmem:s29], [sflag:$0x1], $0x80, v4, vm0, $0xb8;
	[tilespmem:$0x10100] =	vst v63  }
0x168: {  	s23 =	simm.s32 $0xA100  }
0x169: {  	[hbm4b:s4+s1] =	stream.indirect_vreg.scatter [tilespmem:s23], [sflag:$0x1], $0x80, v3, vm0, $0xb8;
	[tilespmem:$0x10100] =	vst v63  }
0x16a: {  	_ = 	snop  }
0x16b: {  	[hbm4b:s8+s1] =	stream.indirect_vreg.scatter [tilespmem:s0], [sflag:$0x1], $0x80, v3, vm0, $0xb8;
	[tilespmem:$0x10100] =	vst v63  }
0x16c: {  	_ = 	snop  }
0x16d: {  	[hbm4b:s9+s1] =	stream.indirect_vreg.scatter [tilespmem:s2], [sflag:$0x1], $0x80, v3, vm0, $0xb8;
	[tilespmem:$0x10100] =	vst v63  }
0x16e: {  	_ = 	snop  }
0x16f: {  	[hbm4b:s10+s1] =	stream.indirect_vreg.scatter [tilespmem:s18], [sflag:$0x1], $0x80, v3, vm0, $0xb8;
	[tilespmem:$0x10100] =	vst v63  }
0x170: {  	v3 =	vld [tilespmem:$0xB0];
	_ =	sdelay $0x4  }
0x171: {  	v63 =	vshll.u32 v3, $0x3  }
0x172: {  	v3 =	vand.u32 $0x7, v3;
	v4 =	vand.u32 $0xFFFFFFC0, v63  }
0x173: {  	v3 =	vor.u32 v3, v4  }
0x174: {  	v4 =	vperm.xlane v3, v0;
	_ =	sdelay $0x1  }
0x175: {  	v4 =	vadd.s32 v1, v4;
	_ =	sdelay $0x4  }
0x176: {  	[hbm4b:s4+s1] =	stream.indirect_vreg.scatter [tilespmem:s19], [sflag:$0x1], $0x80, v4, vm0, $0xb8;
	[tilespmem:$0x10100] =	vst v63  }
0x177: {  	v3 =	vperm.xlane v3, v2  }
0x178: {  	[hbm4b:s8+s1] =	stream.indirect_vreg.scatter [tilespmem:s20], [sflag:$0x1], $0x80, v4, vm0, $0xb8;
	[tilespmem:$0x10100] =	vst v63  }
0x179: {  	v3 =	vadd.s32 v1, v3  }
0x17a: {  	[hbm4b:s9+s1] =	stream.indirect_vreg.scatter [tilespmem:s13], [sflag:$0x1], $0x80, v4, vm0, $0xb8;
	[tilespmem:$0x10100] =	vst v63  }
0x17b: {  	_ = 	snop  }
0x17c: {  	[hbm4b:s10+s1] =	stream.indirect_vreg.scatter [tilespmem:s14], [sflag:$0x1], $0x80, v4, vm0, $0xb8;
	[tilespmem:$0x10100] =	vst v63  }
0x17d: {  	_ = 	snop  }
0x17e: {  	[hbm4b:s4+s1] =	stream.indirect_vreg.scatter [tilespmem:s15], [sflag:$0x1], $0x80, v3, vm0, $0xb8;
	[tilespmem:$0x10100] =	vst v63  }
0x17f: {  	_ = 	snop  }
0x180: {  	[hbm4b:s8+s1] =	stream.indirect_vreg.scatter [tilespmem:s16], [sflag:$0x1], $0x80, v3, vm0, $0xb8;
	[tilespmem:$0x10100] =	vst v63  }
0x181: {  	p0 =	sne.s32 s11, $0x1  }
0x182: {  	[hbm4b:s9+s1] =	stream.indirect_vreg.scatter [tilespmem:s17], [sflag:$0x1], $0x80, v3, vm0, $0xb8;
	[tilespmem:$0x10100] =	vst v63  }
.Ltmp0:
0x183: {  	_ = 	snop;
	(pc) =	sbr.rel @p0 .LBB2_1-.Ltmp0, $4  }
0x184: {  	[hbm4b:s10+s1] =	stream.indirect_vreg.scatter [tilespmem:s21], [sflag:$0x1], $0x80, v3, vm0, $0xb8;
	[tilespmem:$0x10100] =	vst v63  }
0x185: {  	_ =	swait.ge [sflag:s26], $0x10000  }
0x186: {  	[sflag:s26] =	ssyncset.done $0x0  }
0x187: {  	s11 =	sadd.s32 $0xFFFFFFFF, s11;
	[sflag:s26] =	ssyncadd.s32 $0xFFFF0000  }
0x188: {  	_ =	sfence.sel $0x180000  }
0x189: {  	[bflag:$0x0] =	sbarrier.arrive $0xFFFF  }
0x18a: {  	_ =	strace $0x90000047  }
0x18b: {  	s0 =	stileid.u32;
	[bflag:$0x2] =	sbarrier.arrive $0xFFFF  }
0x18c: {  	p0 =	sne.s32 s0, $0x0;
	s0 =	rddreg [dreg:$0x1]  }
0x18d: {  	s0 =	sadd.s32 @!p0 $0x100000, s0  }
0x18e: {  	[sflag:s0] =	ssyncadd.tile.s32 @!p0 $0x1;
	_ =	shalt  }
.Lfunc_end2:
_tile_overlayer_lowered:
.L_overlay_start_2:
0x18f: {  	(tag) =	ssettag $0x2  }
0x190: {  	s0 =	rddreg [dreg:$0x0];
	s2 =	stileid.u32  }
0x191: {  	s1 =	rddreg [dreg:$0x1];
	p0 =	sne.s32 s2, $0x0  }
0x192: {  	s3 =	rddreg [dreg:$0x2];
	[bflag:$0x3] =	sbarrier.arrive $0xFFFF;
	s2 =	simm.s32 @!p0 $0x1C02  }
0x193: {  	[timem:s3], [sflag:s2] =	dma.local @!p0 [hbm:s0], s1  }
0x194: {  	s0 =	simm.s32 @!p0 $0x2  }
0x195: {  	_ =	swait.ge @!p0 [sflag:s0], s1  }
0x196: {  	s1 =	ssub.s32 @!p0 $0x0, s1;
	[sflag:s0] =	ssyncset.done @!p0 $0x0  }
0x197: {  	[sflag:s0] =	ssyncadd.s32 @!p0 s1  }
0x198: {  	[bflag:$0x3] =	sbarrier.arrive $0xFFFF  }
0x199: {  	_ =	shalt  }

</sc_bundles>
